<compile_context>
chip_gen: v7x
topology: tpu7x:2x2x1
jax: 0.10.2.dev20260603
libtpu: 0.0.44.dev20260713+nightly
codegen_flags: <defaults>
</compile_context>

<pallas_src>
import dataclasses

import jax
import jax.numpy as jnp
from jax import lax
from jax.experimental import pallas as pl
from jax.experimental.pallas import tpu as pltpu
from jax.experimental.pallas import tpu_sc as plsc

N_NODES = 10000
N_EDGES = 320000
DIM = 128
NUM_RELS = 5

NPAD = 10240
NUM_TILES = 32
EDGES_PER_TILE = N_EDGES // NUM_TILES
CHUNK = 80
CHUNKS_PER_TILE = EDGES_PER_TILE // CHUNK
ROWS_PER_TILE = NPAD // 16



_HP_BLK = 1000


def _hp_body(h_ref, rv_ref, out_ref):
    hb = h_ref[...]
    for r in range(NUM_RELS):
        out_ref[r] = jnp.maximum(hb + rv_ref[r], 0.0)


def _build_hp(h, relvectors):
    return pl.pallas_call(
        _hp_body,
        grid=(N_NODES // _HP_BLK,),
        in_specs=[
            pl.BlockSpec((_HP_BLK, DIM), lambda i: (i, 0)),
            pl.BlockSpec((NUM_RELS, DIM), lambda i: (0, 0)),
        ],
        out_specs=pl.BlockSpec((NUM_RELS, _HP_BLK, DIM), lambda i: (0, i, 0)),
        out_shape=jax.ShapeDtypeStruct((NUM_RELS, N_NODES, DIM), jnp.float32),
    )(h, relvectors)




def _sc_body(hp_hbm, cmb_hbm, z_hbm,
             acc0_hbm, acc1_hbm, cnt_hbm,
             cmbA, cmbB, dsA, dsB, gxA, gxB, rowsA, rowsB, cnt_v, acc_sh,
             gsA, gsB, ixA, ixB):
    cmbs = (cmbA, cmbB)
    dsts = (dsA, dsB)
    gidxs = (gxA, gxB)
    rows = (rowsA, rowsB)
    gsems = (gsA, gsB)
    isems = (ixA, ixB)
    c = lax.axis_index("c")
    s = lax.axis_index("s")
    wid = c * 16 + s
    row0 = s * ROWS_PER_TILE

    pltpu.sync_copy(z_hbm, acc_sh.at[pl.ds(row0, ROWS_PER_TILE)])

    zeros16 = jnp.zeros((16,), jnp.float32)
    zidx16 = jnp.zeros((16,), jnp.int32)
    ones16 = jnp.ones((16,), jnp.float32)

    @pl.loop(0, NPAD, step=16)
    def _(i):
        cnt_v[0, pl.ds(i, 16)] = zeros16

    plsc.subcore_barrier()

    pltpu.async_copy(cmb_hbm.at[wid, 0], cmbA, ixA)
    pltpu.async_copy(cmb_hbm.at[wid, 1], cmbB, ixB)

    def prep(ci, b):
        cmb_v = cmbs[b]
        gidx_v = gidxs[b]
        dst_v = dsts[b]
        pltpu.make_async_copy(cmb_hbm.at[wid, 0], cmb_v, isems[b]).wait()

        @pl.loop(0, CHUNK, step=16)
        def _(j):
            sv = cmb_v[pl.ds(j, 16)]
            ev = cmb_v[pl.ds(2 * CHUNK + j, 16)]
            gidx_v[pl.ds(j, 16)] = ev * N_NODES + sv
            dv = cmb_v[pl.ds(CHUNK + j, 16)]
            dst_v[pl.ds(j, 16)] = dv
            plsc.addupdate_scatter(cnt_v, [zidx16, dv], ones16)

        @pl.when(ci + 2 < CHUNKS_PER_TILE)
        def _():
            pltpu.async_copy(cmb_hbm.at[wid, ci + 2], cmb_v, isems[b])
        pltpu.async_copy(hp_hbm.at[gidx_v], rows[b], gsems[b])

    def drain(b):
        pltpu.make_async_copy(hp_hbm.at[pl.ds(0, CHUNK)], rows[b],
                              gsems[b]).wait()
        pltpu.sync_copy(rows[b], acc_sh.at[dsts[b]], add=True)

    prep(0, 0)

    @pl.loop(0, CHUNKS_PER_TILE - 1, step=2)
    def _(g):
        prep(g + 1, 1)
        drain(0)
        prep(g + 2, 0)
        drain(1)

    drain(0)

    plsc.subcore_barrier()

    pltpu.sync_copy(cnt_v, cnt_hbm.at[wid])

    @pl.when(c == 0)
    def _():
        pltpu.sync_copy(acc_sh.at[pl.ds(row0, ROWS_PER_TILE)],
                        acc0_hbm.at[pl.ds(row0, ROWS_PER_TILE)])

    @pl.when(c == 1)
    def _():
        pltpu.sync_copy(acc_sh.at[pl.ds(row0, ROWS_PER_TILE)],
                        acc1_hbm.at[pl.ds(row0, ROWS_PER_TILE)])


def _sc_aggregate(hp, cmb, zrows):
    mesh = plsc.VectorSubcoreMesh(core_axis_name="c", subcore_axis_name="s")
    out_type = (
        jax.ShapeDtypeStruct((NPAD, DIM), jnp.float32),
        jax.ShapeDtypeStruct((NPAD, DIM), jnp.float32),
        jax.ShapeDtypeStruct((NUM_TILES, 1, NPAD), jnp.float32),
    )
    scratch = [
        pltpu.VMEM((3 * CHUNK,), jnp.int32),
        pltpu.VMEM((3 * CHUNK,), jnp.int32),
        pltpu.VMEM((CHUNK,), jnp.int32),
        pltpu.VMEM((CHUNK,), jnp.int32),
        pltpu.VMEM((CHUNK,), jnp.int32),
        pltpu.VMEM((CHUNK,), jnp.int32),
        pltpu.VMEM((CHUNK, DIM), jnp.float32),
        pltpu.VMEM((CHUNK, DIM), jnp.float32),
        pltpu.VMEM((1, NPAD), jnp.float32),
        pltpu.VMEM_SHARED((NPAD, DIM), jnp.float32),
        pltpu.SemaphoreType.DMA,
        pltpu.SemaphoreType.DMA,
        pltpu.SemaphoreType.DMA,
        pltpu.SemaphoreType.DMA,
    ]
    cp = pltpu.CompilerParams()
    if "needs_layout_passes" in pltpu.CompilerParams.__dataclass_fields__:
        cp = dataclasses.replace(cp, needs_layout_passes=False)
    fn = pl.kernel(_sc_body, out_type=out_type, mesh=mesh,
                   scratch_types=scratch, compiler_params=cp)
    return fn(hp, cmb, zrows)



_FIN_BLK = 1024


def _fin_body(a0_ref, a1_ref, cnt_ref, w_ref, b_ref, out_ref):
    ssum = a0_ref[...] + a1_ref[...]
    csum = jnp.sum(cnt_ref[...], axis=0)
    eye = (lax.broadcasted_iota(jnp.int32, (DIM, DIM), 0)
           == lax.broadcasted_iota(jnp.int32, (DIM, DIM), 1)
           ).astype(jnp.float32)
    ct = lax.dot_general(eye, csum, (((1,), (1,)), ((), ())),
                         preferred_element_type=jnp.float32)
    pieces = []
    for k in range(_FIN_BLK // DIM):
        col = jnp.maximum(ct[:, k:k + 1], 1.0)
        pieces.append(ssum[k * DIM:(k + 1) * DIM, :] / col)
    red = jnp.concatenate(pieces, axis=0)
    out_ref[...] = lax.dot_general(
        red, w_ref[...], (((1,), (1,)), ((), ())),
        preferred_element_type=jnp.float32) + b_ref[...]


def _finalize(acc0, acc1, cnts, W, b2):
    return pl.pallas_call(
        _fin_body,
        grid=(NPAD // _FIN_BLK,),
        in_specs=[
            pl.BlockSpec((_FIN_BLK, DIM), lambda g: (g, 0)),
            pl.BlockSpec((_FIN_BLK, DIM), lambda g: (g, 0)),
            pl.BlockSpec((NUM_TILES, _FIN_BLK // DIM, DIM), lambda g: (0, g, 0)),
            pl.BlockSpec((DIM, DIM), lambda g: (0, 0)),
            pl.BlockSpec((1, DIM), lambda g: (0, 0)),
        ],
        out_specs=pl.BlockSpec((_FIN_BLK, DIM), lambda g: (g, 0)),
        out_shape=jax.ShapeDtypeStruct((NPAD, DIM), jnp.float32),
    )(acc0, acc1, cnts, W, b2)




@jax.jit
def kernel(h, edge_index, edge_id, W, b, relvectors):
    src = edge_index[0].astype(jnp.int32)
    dst = edge_index[1].astype(jnp.int32)
    eid = edge_id.astype(jnp.int32)
    hp = _build_hp(h, relvectors).reshape(NUM_RELS * N_NODES, DIM)
    cmb = jnp.stack([src.reshape(NUM_TILES, CHUNKS_PER_TILE, CHUNK),
                     dst.reshape(NUM_TILES, CHUNKS_PER_TILE, CHUNK),
                     eid.reshape(NUM_TILES, CHUNKS_PER_TILE, CHUNK)],
                    axis=2).reshape(NUM_TILES, CHUNKS_PER_TILE, 3 * CHUNK)
    zrows = jnp.zeros((ROWS_PER_TILE, DIM), jnp.float32)
    acc0, acc1, cnts = _sc_aggregate(hp, cmb, zrows)
    cnts = cnts.reshape(NUM_TILES, NPAD // DIM, DIM)
    out = _finalize(acc0, acc1, cnts, W, b.reshape(1, DIM))
    return out[:N_NODES]

# --- scband reference (transcript-rebuilt; emitter-appended) ---
"""Pipeline reference for scband-deep-gcncell-25391846654702 (READ-ONLY COPY).

The authoritative reference and input builder live on the scoring server;
editing this copy changes nothing except your own understanding.
"""

import jax, jax.numpy as jnp
import numpy as np

N_NODES = 10000
N_EDGES = 320000
DIM = 128
NUM_RELS = 5

def setup_inputs(seed: int = 0) -> dict:
    key = jax.random.key(seed)
    k1, k2, k3, k4, k5, k6 = jax.random.split(key, 6)
    h = jax.random.normal(k1, (N_NODES, DIM), dtype=jnp.float32)
    edge_index = jax.random.randint(k2, (2, N_EDGES), 0, N_NODES, dtype=jnp.int64)
    edge_id = jax.random.randint(k3, (N_EDGES,), 0, NUM_RELS, dtype=jnp.int64)
    # Linear(dim, dim) params (kaiming-uniform-ish init)
    bound = 1.0 / np.sqrt(DIM)
    W = jax.random.uniform(k4, (DIM, DIM), minval=-bound, maxval=bound, dtype=jnp.float32)
    b = jax.random.uniform(k5, (DIM,), minval=-bound, maxval=bound, dtype=jnp.float32)
    # relvectors Parameter [numrels, dim], kaiming_uniform(a=sqrt(5)) ~ U(-1/sqrt(dim), 1/sqrt(dim))
    relvectors = jax.random.uniform(k6, (NUM_RELS, DIM), minval=-bound, maxval=bound, dtype=jnp.float32)
    return {"h": h, "edge_index": edge_index, "edge_id": edge_id, "W": W, "b": b, "relvectors": relvectors}

def reference(h, edge_index, edge_id, W, b, relvectors):
    src = edge_index[0]
    dst = edge_index[1]
    # message_func: msg = relu(h_src + relvectors[edge_id])
    hs = jnp.take(h, src, axis=0)
    relvecs = jnp.take(relvectors, edge_id, axis=0)
    msg = jax.nn.relu(hs + relvecs)
    # reduce_func: red = mean of incoming messages per destination node
    summed = jax.ops.segment_sum(msg, dst, num_segments=N_NODES)
    count = jax.ops.segment_sum(jnp.ones((msg.shape[0],), dtype=msg.dtype), dst, num_segments=N_NODES)
    red = summed / jnp.maximum(count, 1.0)[:, None]
    # apply_node_func: h = lin(red)
    h_new = red @ W.T + b
    return h_new

if __name__ == "__main__":
    import jax
    _d = setup_inputs()
    print(jax.jit(kernel)(*tuple(_d.values())))

</pallas_src>

<mosaic_0001>
#map = affine_map<(d0, d1) -> (0, 0)>
#map1 = affine_map<(d0, d1) -> (0, 0, 0)>
module attributes {stable_mosaic.version = 14 : i64} {
  func.func @_sc_body(%arg0: i32, %arg1: i32, %arg2: memref<50000x128xf32, #tpu.memory_space<hbm>>, %arg3: memref<32x125x240xi32, #tpu.memory_space<hbm>>, %arg4: memref<640x128xf32, #tpu.memory_space<hbm>>, %arg5: memref<10240x128xf32, #tpu.memory_space<hbm>>, %arg6: memref<10240x128xf32, #tpu.memory_space<hbm>>, %arg7: memref<32x1x10240xf32, #tpu.memory_space<hbm>>, %arg8: memref<240xi32, #tpu.memory_space<vmem>>, %arg9: memref<240xi32, #tpu.memory_space<vmem>>, %arg10: memref<80xi32, #tpu.memory_space<vmem>>, %arg11: memref<80xi32, #tpu.memory_space<vmem>>, %arg12: memref<80xi32, #tpu.memory_space<vmem>>, %arg13: memref<80xi32, #tpu.memory_space<vmem>>, %arg14: memref<80x128xf32, #tpu.memory_space<vmem>>, %arg15: memref<80x128xf32, #tpu.memory_space<vmem>>, %arg16: memref<1x10240xf32, #tpu.memory_space<vmem>>, %arg17: memref<10240x128xf32, #tpu.memory_space<vmem_shared>>, %arg18: memref<!tpu.dma_semaphore, #tpu.memory_space<semaphore_mem>>, %arg19: memref<!tpu.dma_semaphore, #tpu.memory_space<semaphore_mem>>, %arg20: memref<!tpu.dma_semaphore, #tpu.memory_space<semaphore_mem>>, %arg21: memref<!tpu.dma_semaphore, #tpu.memory_space<semaphore_mem>>) attributes {dimension_semantics = [#tpu.dimension_semantics<core_parallel>, #tpu.dimension_semantics<subcore_parallel>], iteration_bounds = array<i64: 2, 16>, scalar_prefetch = 0 : i64, scratch_operands = 14 : i64, tpu.core_type = #tpu.core_type<sc_vector_subcore>, window_params = [{transform_indices = #map}, {transform_indices = #map1}, {transform_indices = #map}, {transform_indices = #map}, {transform_indices = #map}, {transform_indices = #map1}]} {
    %mul3A = arith.constant 16 : i32
    %mul3A_0 = arith.muli %arg0, %mul3A : i32
    %add3A = arith.addi %mul3A_0, %arg1 : i32
    %mul3A_1 = arith.constant 640 : i32
    %mul3A_2 = arith.muli %arg1, %mul3A_1 : i32
    "tpu.region"() ({
      %run_scoped3A = tpu.sem_alloc : memref<!tpu.dma_semaphore, #tpu.memory_space<semaphore_mem>>
      %dma_start3A_65 = arith.constant 0 : i32
      %dma_start3A_66 = tpu.memref_slice %arg17[%mul3A_2, %dma_start3A_65] : memref<10240x128xf32, #tpu.memory_space<vmem_shared>> -> memref<640x128xf32, #tpu.memory_space<vmem_shared>>
      tpu.enqueue_dma source(%arg4 : memref<640x128xf32, #tpu.memory_space<hbm>>) target(%dma_start3A_66 : memref<640x128xf32, #tpu.memory_space<vmem_shared>>) target_semaphore(%run_scoped3A : memref<!tpu.dma_semaphore, #tpu.memory_space<semaphore_mem>>)
      %dma_wait3A_67 = arith.constant 0 : i32
      %dma_wait3A_68 = tpu.memref_slice %arg17[%mul3A_2, %dma_wait3A_67] : memref<10240x128xf32, #tpu.memory_space<vmem_shared>> -> memref<640x128xf32, #tpu.memory_space<vmem_shared>>
      tpu.wait_dma2 semaphore(%run_scoped3A : memref<!tpu.dma_semaphore, #tpu.memory_space<semaphore_mem>>) src(%arg4 : memref<640x128xf32, #tpu.memory_space<hbm>>) dst(%dma_wait3A_68 : memref<640x128xf32, #tpu.memory_space<vmem_shared>>)
      tpu.yield
    }) : () -> ()
    %broadcast_in_dim3A = arith.constant 0.000000e+00 : f32
    %broadcast_in_dim3A_3 = vector.broadcast %broadcast_in_dim3A : f32 to vector<16xf32>
    %broadcast_in_dim3A_4 = arith.constant 0 : i32
    %broadcast_in_dim3A_5 = vector.broadcast %broadcast_in_dim3A_4 : i32 to vector<16xi32>
    %broadcast_in_dim3A_6 = arith.constant 1.000000e+00 : f32
    %broadcast_in_dim3A_7 = vector.broadcast %broadcast_in_dim3A_6 : f32 to vector<16xf32>
    %scan3A = arith.constant 0 : i32
    %scan3A_8 = arith.constant 640 : i32
    %scan3A_9 = arith.addi %scan3A, %scan3A_8 : i32
    %scan3A_10 = arith.constant 1 : i32
    scf.for %scan3A_65 = %scan3A to %scan3A_9 step %scan3A_10  : i32 {
      %mul3A_66 = arith.constant 16 : i32
      %mul3A_67 = arith.muli %scan3A_65, %mul3A_66 : i32
      %add3A_68 = arith.constant 0 : i32
      %add3A_69 = arith.addi %add3A_68, %mul3A_67 : i32
      %swap3A = arith.constant 0 : i32
      %swap3A_70 = arith.index_cast %swap3A : i32 to index
      %swap3A_71 = arith.index_cast %add3A_69 : i32 to index
      %swap3A_72 = tpu.vector_load %arg16[%swap3A_70, %swap3A_71] {strides = array<i32>} : memref<1x10240xf32, #tpu.memory_space<vmem>>, vector<16xf32>,
      tpu.vector_store %arg16[%swap3A_70, %swap3A_71], %broadcast_in_dim3A_3 {strides = array<i32>} : memref<1x10240xf32, #tpu.memory_space<vmem>>, vector<16xf32>,
    }
    %scan3A_11 = arith.constant 640 : i32
    %barrier3A = arith.constant 0 : index
    tpu.barrier barrier_id(%barrier3A)
    %dma_start3A = arith.constant 0 : i32
    %dma_start3A_12 = arith.constant 0 : i32
    %dma_start3A_13 = tpu.memref_slice %arg3[%add3A, %dma_start3A, %dma_start3A_12] : memref<32x125x240xi32, #tpu.memory_space<hbm>> -> memref<1x1x240xi32, #tpu.memory_space<hbm>>
    %dma_start3A_14 = tpu.memref_squeeze %dma_start3A_13 : memref<1x1x240xi32, #tpu.memory_space<hbm>> -> memref<240xi32, #tpu.memory_space<hbm>>
    %dma_start3A_15 = arith.constant 0 : i32
    %dma_start3A_16 = tpu.memref_slice %arg3[%add3A, %dma_start3A, %dma_start3A_15] : memref<32x125x240xi32, #tpu.memory_space<hbm>> -> memref<1x1x240xi32, #tpu.memory_space<hbm>>
    %dma_start3A_17 = tpu.memref_squeeze %dma_start3A_16 : memref<1x1x240xi32, #tpu.memory_space<hbm>> -> memref<240xi32, #tpu.memory_space<hbm>>
    tpu.enqueue_dma source(%dma_start3A_17 : memref<240xi32, #tpu.memory_space<hbm>>) target(%arg8 : memref<240xi32, #tpu.memory_space<vmem>>) target_semaphore(%arg20 : memref<!tpu.dma_semaphore, #tpu.memory_space<semaphore_mem>>)
    %dma_start3A_18 = arith.constant 1 : i32
    %dma_start3A_19 = arith.constant 0 : i32
    %dma_start3A_20 = tpu.memref_slice %arg3[%add3A, %dma_start3A_18, %dma_start3A_19] : memref<32x125x240xi32, #tpu.memory_space<hbm>> -> memref<1x1x240xi32, #tpu.memory_space<hbm>>
    %dma_start3A_21 = tpu.memref_squeeze %dma_start3A_20 : memref<1x1x240xi32, #tpu.memory_space<hbm>> -> memref<240xi32, #tpu.memory_space<hbm>>
    %dma_start3A_22 = arith.constant 0 : i32
    %dma_start3A_23 = tpu.memref_slice %arg3[%add3A, %dma_start3A_18, %dma_start3A_22] : memref<32x125x240xi32, #tpu.memory_space<hbm>> -> memref<1x1x240xi32, #tpu.memory_space<hbm>>
    %dma_start3A_24 = tpu.memref_squeeze %dma_start3A_23 : memref<1x1x240xi32, #tpu.memory_space<hbm>> -> memref<240xi32, #tpu.memory_space<hbm>>
    tpu.enqueue_dma source(%dma_start3A_24 : memref<240xi32, #tpu.memory_space<hbm>>) target(%arg9 : memref<240xi32, #tpu.memory_space<vmem>>) target_semaphore(%arg21 : memref<!tpu.dma_semaphore, #tpu.memory_space<semaphore_mem>>)
    %dma_wait3A = arith.constant 0 : i32
    %dma_wait3A_25 = arith.constant 0 : i32
    %dma_wait3A_26 = tpu.memref_slice %arg3[%add3A, %dma_wait3A, %dma_wait3A_25] : memref<32x125x240xi32, #tpu.memory_space<hbm>> -> memref<1x1x240xi32, #tpu.memory_space<hbm>>
    %dma_wait3A_27 = tpu.memref_squeeze %dma_wait3A_26 : memref<1x1x240xi32, #tpu.memory_space<hbm>> -> memref<240xi32, #tpu.memory_space<hbm>>
    %dma_wait3A_28 = arith.constant 0 : i32
    %dma_wait3A_29 = tpu.memref_slice %arg3[%add3A, %dma_wait3A, %dma_wait3A_28] : memref<32x125x240xi32, #tpu.memory_space<hbm>> -> memref<1x1x240xi32, #tpu.memory_space<hbm>>
    %dma_wait3A_30 = tpu.memref_squeeze %dma_wait3A_29 : memref<1x1x240xi32, #tpu.memory_space<hbm>> -> memref<240xi32, #tpu.memory_space<hbm>>
    tpu.wait_dma2 semaphore(%arg20 : memref<!tpu.dma_semaphore, #tpu.memory_space<semaphore_mem>>) src(%dma_wait3A_30 : memref<240xi32, #tpu.memory_space<hbm>>) dst(%arg8 : memref<240xi32, #tpu.memory_space<vmem>>)
    %scan3A_31 = arith.constant 0 : i32
    %scan3A_32 = arith.constant 5 : i32
    %scan3A_33 = arith.addi %scan3A_31, %scan3A_32 : i32
    %scan3A_34 = arith.constant 1 : i32
    scf.for %scan3A_65 = %scan3A_31 to %scan3A_33 step %scan3A_34  : i32 {
      %mul3A_66 = arith.constant 16 : i32
      %mul3A_67 = arith.muli %scan3A_65, %mul3A_66 : i32
      %add3A_68 = arith.constant 0 : i32
      %add3A_69 = arith.addi %add3A_68, %mul3A_67 : i32
      %get3A = arith.index_cast %add3A_69 : i32 to index
      %get3A_70 = tpu.vector_load %arg8[%get3A] {strides = array<i32>} : memref<240xi32, #tpu.memory_space<vmem>>, vector<16xi32>,
      %add3A_71 = arith.constant 160 : i32
      %add3A_72 = arith.addi %add3A_71, %add3A_69 : i32
      %get3A_73 = arith.index_cast %add3A_72 : i32 to index
      %get3A_74 = tpu.vector_load %arg8[%get3A_73] {strides = array<i32>} : memref<240xi32, #tpu.memory_space<vmem>>, vector<16xi32>,
      %mul3A_75 = arith.constant 10000 : i32
      %mul3A_76 = vector.broadcast %mul3A_75 : i32 to vector<16xi32>
      %mul3A_77 = arith.muli %get3A_74, %mul3A_76 : vector<16xi32>
      %add3A_78 = arith.addi %mul3A_77, %get3A_70 : vector<16xi32>
      %swap3A = arith.index_cast %add3A_69 : i32 to index
      %swap3A_79 = tpu.vector_load %arg12[%swap3A] {strides = array<i32>} : memref<80xi32, #tpu.memory_space<vmem>>, vector<16xi32>,
      tpu.vector_store %arg12[%swap3A], %add3A_78 {strides = array<i32>} : memref<80xi32, #tpu.memory_space<vmem>>, vector<16xi32>,
      %add3A_80 = arith.constant 80 : i32
      %add3A_81 = arith.addi %add3A_80, %add3A_69 : i32
      %get3A_82 = arith.index_cast %add3A_81 : i32 to index
      %get3A_83 = tpu.vector_load %arg8[%get3A_82] {strides = array<i32>} : memref<240xi32, #tpu.memory_space<vmem>>, vector<16xi32>,
      %swap3A_84 = arith.index_cast %add3A_69 : i32 to index
      %swap3A_85 = tpu.vector_load %arg10[%swap3A_84] {strides = array<i32>} : memref<80xi32, #tpu.memory_space<vmem>>, vector<16xi32>,
      tpu.vector_store %arg10[%swap3A_84], %get3A_83 {strides = array<i32>} : memref<80xi32, #tpu.memory_space<vmem>>, vector<16xi32>,
      tpu.vector_store_idx %arg16[%broadcast_in_dim3A_5, %get3A_83], %broadcast_in_dim3A_7 {add = true} : memref<1x10240xf32, #tpu.memory_space<vmem>>[vector<16xi32>, vector<16xi32>], vector<16xf32>,
    }
    %scan3A_35 = arith.constant 5 : i32
    %dma_start3A_36 = arith.constant 2 : i32
    %dma_start3A_37 = arith.constant 0 : i32
    %dma_start3A_38 = tpu.memref_slice %arg3[%add3A, %dma_start3A_36, %dma_start3A_37] : memref<32x125x240xi32, #tpu.memory_space<hbm>> -> memref<1x1x240xi32, #tpu.memory_space<hbm>>
    %dma_start3A_39 = tpu.memref_squeeze %dma_start3A_38 : memref<1x1x240xi32, #tpu.memory_space<hbm>> -> memref<240xi32, #tpu.memory_space<hbm>>
    %dma_start3A_40 = arith.constant 0 : i32
    %dma_start3A_41 = tpu.memref_slice %arg3[%add3A, %dma_start3A_36, %dma_start3A_40] : memref<32x125x240xi32, #tpu.memory_space<hbm>> -> memref<1x1x240xi32, #tpu.memory_space<hbm>>
    %dma_start3A_42 = tpu.memref_squeeze %dma_start3A_41 : memref<1x1x240xi32, #tpu.memory_space<hbm>> -> memref<240xi32, #tpu.memory_space<hbm>>
    tpu.enqueue_dma source(%dma_start3A_42 : memref<240xi32, #tpu.memory_space<hbm>>) target(%arg8 : memref<240xi32, #tpu.memory_space<vmem>>) target_semaphore(%arg20 : memref<!tpu.dma_semaphore, #tpu.memory_space<semaphore_mem>>)
    %dma_start3A_43 = arith.constant 0 : i32
    %dma_start3A_44 = arith.constant 0 : i32
    %dma_start3A_45 = tpu.memref_slice %arg2[%dma_start3A_43, %dma_start3A_44] : memref<50000x128xf32, #tpu.memory_space<hbm>> -> memref<50000x128xf32, #tpu.memory_space<hbm>>
    tpu.enqueue_indirect_dma source(%dma_start3A_45 : memref<50000x128xf32, #tpu.memory_space<hbm>>) target(%arg14 : memref<80x128xf32, #tpu.memory_space<vmem>>) offsets(%arg12 : memref<80xi32, #tpu.memory_space<vmem>>) semaphore(%arg18 : memref<!tpu.dma_semaphore, #tpu.memory_space<semaphore_mem>>)
    %scan3A_46 = arith.constant 0 : i32
    %scan3A_47 = arith.constant 62 : i32
    %scan3A_48 = arith.addi %scan3A_46, %scan3A_47 : i32
    %scan3A_49 = arith.constant 1 : i32
    scf.for %scan3A_65 = %scan3A_46 to %scan3A_48 step %scan3A_49  : i32 {
      %mul3A_66 = arith.constant 2 : i32
      %mul3A_67 = arith.muli %scan3A_65, %mul3A_66 : i32
      %add3A_68 = arith.constant 0 : i32
      %add3A_69 = arith.addi %add3A_68, %mul3A_67 : i32
      %add3A_70 = arith.constant 1 : i32
      %add3A_71 = arith.addi %add3A_69, %add3A_70 : i32
      %dma_wait3A_72 = arith.constant 0 : i32
      %dma_wait3A_73 = arith.constant 0 : i32
      %dma_wait3A_74 = tpu.memref_slice %arg3[%add3A, %dma_wait3A_72, %dma_wait3A_73] : memref<32x125x240xi32, #tpu.memory_space<hbm>> -> memref<1x1x240xi32, #tpu.memory_space<hbm>>
      %dma_wait3A_75 = tpu.memref_squeeze %dma_wait3A_74 : memref<1x1x240xi32, #tpu.memory_space<hbm>> -> memref<240xi32, #tpu.memory_space<hbm>>
      %dma_wait3A_76 = arith.constant 0 : i32
      %dma_wait3A_77 = tpu.memref_slice %arg3[%add3A, %dma_wait3A_72, %dma_wait3A_76] : memref<32x125x240xi32, #tpu.memory_space<hbm>> -> memref<1x1x240xi32, #tpu.memory_space<hbm>>
      %dma_wait3A_78 = tpu.memref_squeeze %dma_wait3A_77 : memref<1x1x240xi32, #tpu.memory_space<hbm>> -> memref<240xi32, #tpu.memory_space<hbm>>
      tpu.wait_dma2 semaphore(%arg21 : memref<!tpu.dma_semaphore, #tpu.memory_space<semaphore_mem>>) src(%dma_wait3A_78 : memref<240xi32, #tpu.memory_space<hbm>>) dst(%arg9 : memref<240xi32, #tpu.memory_space<vmem>>)
      %scan3A_79 = arith.constant 0 : i32
      %scan3A_80 = arith.constant 5 : i32
      %scan3A_81 = arith.addi %scan3A_79, %scan3A_80 : i32
      %scan3A_82 = arith.constant 1 : i32
      scf.for %scan3A_129 = %scan3A_79 to %scan3A_81 step %scan3A_82  : i32 {
        %mul3A_130 = arith.constant 16 : i32
        %mul3A_131 = arith.muli %scan3A_129, %mul3A_130 : i32
        %add3A_132 = arith.constant 0 : i32
        %add3A_133 = arith.addi %add3A_132, %mul3A_131 : i32
        %get3A = arith.index_cast %add3A_133 : i32 to index
        %get3A_134 = tpu.vector_load %arg9[%get3A] {strides = array<i32>} : memref<240xi32, #tpu.memory_space<vmem>>, vector<16xi32>,
        %add3A_135 = arith.constant 160 : i32
        %add3A_136 = arith.addi %add3A_135, %add3A_133 : i32
        %get3A_137 = arith.index_cast %add3A_136 : i32 to index
        %get3A_138 = tpu.vector_load %arg9[%get3A_137] {strides = array<i32>} : memref<240xi32, #tpu.memory_space<vmem>>, vector<16xi32>,
        %mul3A_139 = arith.constant 10000 : i32
        %mul3A_140 = vector.broadcast %mul3A_139 : i32 to vector<16xi32>
        %mul3A_141 = arith.muli %get3A_138, %mul3A_140 : vector<16xi32>
        %add3A_142 = arith.addi %mul3A_141, %get3A_134 : vector<16xi32>
        %swap3A = arith.index_cast %add3A_133 : i32 to index
        %swap3A_143 = tpu.vector_load %arg13[%swap3A] {strides = array<i32>} : memref<80xi32, #tpu.memory_space<vmem>>, vector<16xi32>,
        tpu.vector_store %arg13[%swap3A], %add3A_142 {strides = array<i32>} : memref<80xi32, #tpu.memory_space<vmem>>, vector<16xi32>,
        %add3A_144 = arith.constant 80 : i32
        %add3A_145 = arith.addi %add3A_144, %add3A_133 : i32
        %get3A_146 = arith.index_cast %add3A_145 : i32 to index
        %get3A_147 = tpu.vector_load %arg9[%get3A_146] {strides = array<i32>} : memref<240xi32, #tpu.memory_space<vmem>>, vector<16xi32>,
        %swap3A_148 = arith.index_cast %add3A_133 : i32 to index
        %swap3A_149 = tpu.vector_load %arg11[%swap3A_148] {strides = array<i32>} : memref<80xi32, #tpu.memory_space<vmem>>, vector<16xi32>,
        tpu.vector_store %arg11[%swap3A_148], %get3A_147 {strides = array<i32>} : memref<80xi32, #tpu.memory_space<vmem>>, vector<16xi32>,
        tpu.vector_store_idx %arg16[%broadcast_in_dim3A_5, %get3A_147], %broadcast_in_dim3A_7 {add = true} : memref<1x10240xf32, #tpu.memory_space<vmem>>[vector<16xi32>, vector<16xi32>], vector<16xf32>,
      }
      %scan3A_83 = arith.constant 5 : i32
      %add3A_84 = arith.constant 2 : i32
      %add3A_85 = arith.addi %add3A_71, %add3A_84 : i32
      %lt3A = arith.constant 125 : i32
      %lt3A_86 = arith.cmpi slt, %add3A_85, %lt3A : i32
      %convert_element_type3A_87 = arith.extui %lt3A_86 : i1 to i32
      %cond3A_88 = arith.constant 0 : i32
      %cond3A_89 = arith.cmpi ne, %convert_element_type3A_87, %cond3A_88 : i32
      scf.if %cond3A_89 {
        %add3A_129 = arith.constant 2 : i32
        %add3A_130 = arith.addi %add3A_71, %add3A_129 : i32
        %dma_start3A_131 = arith.constant 0 : i32
        %dma_start3A_132 = tpu.memref_slice %arg3[%add3A, %add3A_130, %dma_start3A_131] : memref<32x125x240xi32, #tpu.memory_space<hbm>> -> memref<1x1x240xi32, #tpu.memory_space<hbm>>
        %dma_start3A_133 = tpu.memref_squeeze %dma_start3A_132 : memref<1x1x240xi32, #tpu.memory_space<hbm>> -> memref<240xi32, #tpu.memory_space<hbm>>
        %dma_start3A_134 = arith.constant 0 : i32
        %dma_start3A_135 = tpu.memref_slice %arg3[%add3A, %add3A_130, %dma_start3A_134] : memref<32x125x240xi32, #tpu.memory_space<hbm>> -> memref<1x1x240xi32, #tpu.memory_space<hbm>>
        %dma_start3A_136 = tpu.memref_squeeze %dma_start3A_135 : memref<1x1x240xi32, #tpu.memory_space<hbm>> -> memref<240xi32, #tpu.memory_space<hbm>>
        tpu.enqueue_dma source(%dma_start3A_136 : memref<240xi32, #tpu.memory_space<hbm>>) target(%arg9 : memref<240xi32, #tpu.memory_space<vmem>>) target_semaphore(%arg21 : memref<!tpu.dma_semaphore, #tpu.memory_space<semaphore_mem>>)
      } else {
      }
      %dma_start3A_90 = arith.constant 0 : i32
      %dma_start3A_91 = arith.constant 0 : i32
      %dma_start3A_92 = tpu.memref_slice %arg2[%dma_start3A_90, %dma_start3A_91] : memref<50000x128xf32, #tpu.memory_space<hbm>> -> memref<50000x128xf32, #tpu.memory_space<hbm>>
      tpu.enqueue_indirect_dma source(%dma_start3A_92 : memref<50000x128xf32, #tpu.memory_space<hbm>>) target(%arg15 : memref<80x128xf32, #tpu.memory_space<vmem>>) offsets(%arg13 : memref<80xi32, #tpu.memory_space<vmem>>) semaphore(%arg19 : memref<!tpu.dma_semaphore, #tpu.memory_space<semaphore_mem>>)
      %dma_wait3A_93 = arith.constant 0 : i32
      %dma_wait3A_94 = arith.constant 0 : i32
      %dma_wait3A_95 = tpu.memref_slice %arg2[%dma_wait3A_93, %dma_wait3A_94] : memref<50000x128xf32, #tpu.memory_space<hbm>> -> memref<80x128xf32, #tpu.memory_space<hbm>>
      %dma_wait3A_96 = arith.constant 0 : i32
      %dma_wait3A_97 = arith.constant 0 : i32
      %dma_wait3A_98 = tpu.memref_slice %arg2[%dma_wait3A_96, %dma_wait3A_97] : memref<50000x128xf32, #tpu.memory_space<hbm>> -> memref<80x128xf32, #tpu.memory_space<hbm>>
      tpu.wait_dma2 semaphore(%arg18 : memref<!tpu.dma_semaphore, #tpu.memory_space<semaphore_mem>>) src(%dma_wait3A_98 : memref<80x128xf32, #tpu.memory_space<hbm>>) dst(%arg14 : memref<80x128xf32, #tpu.memory_space<vmem>>)
      "tpu.region"() ({
        %run_scoped3A = tpu.sem_alloc : memref<!tpu.dma_semaphore, #tpu.memory_space<semaphore_mem>>
        %dma_start3A_129 = arith.constant 0 : i32
        %dma_start3A_130 = arith.constant 0 : i32
        %dma_start3A_131 = tpu.memref_slice %arg17[%dma_start3A_129, %dma_start3A_130] : memref<10240x128xf32, #tpu.memory_space<vmem_shared>> -> memref<10240x128xf32, #tpu.memory_space<vmem_shared>>
        tpu.enqueue_indirect_dma source(%arg14 : memref<80x128xf32, #tpu.memory_space<vmem>>) target(%dma_start3A_131 : memref<10240x128xf32, #tpu.memory_space<vmem_shared>>) offsets(%arg10 : memref<80xi32, #tpu.memory_space<vmem>>) semaphore(%run_scoped3A : memref<!tpu.dma_semaphore, #tpu.memory_space<semaphore_mem>>) {add = true}
        %dma_wait3A_132 = arith.constant 0 : i32
        %dma_wait3A_133 = arith.constant 0 : i32
        %dma_wait3A_134 = tpu.memref_slice %arg17[%dma_wait3A_132, %dma_wait3A_133] : memref<10240x128xf32, #tpu.memory_space<vmem_shared>> -> memref<10240x128xf32, #tpu.memory_space<vmem_shared>>
        tpu.wait_indirect_dma semaphore(%run_scoped3A : memref<!tpu.dma_semaphore, #tpu.memory_space<semaphore_mem>>) src(%arg14 : memref<80x128xf32, #tpu.memory_space<vmem>>) dst(%dma_wait3A_134 : memref<10240x128xf32, #tpu.memory_space<vmem_shared>>)
        tpu.yield
      }) : () -> ()
      %add3A_99 = arith.constant 2 : i32
      %add3A_100 = arith.addi %add3A_69, %add3A_99 : i32
      %dma_wait3A_101 = arith.constant 0 : i32
      %dma_wait3A_102 = arith.constant 0 : i32
      %dma_wait3A_103 = tpu.memref_slice %arg3[%add3A, %dma_wait3A_101, %dma_wait3A_102] : memref<32x125x240xi32, #tpu.memory_space<hbm>> -> memref<1x1x240xi32, #tpu.memory_space<hbm>>
      %dma_wait3A_104 = tpu.memref_squeeze %dma_wait3A_103 : memref<1x1x240xi32, #tpu.memory_space<hbm>> -> memref<240xi32, #tpu.memory_space<hbm>>
      %dma_wait3A_105 = arith.constant 0 : i32
      %dma_wait3A_106 = tpu.memref_slice %arg3[%add3A, %dma_wait3A_101, %dma_wait3A_105] : memref<32x125x240xi32, #tpu.memory_space<hbm>> -> memref<1x1x240xi32, #tpu.memory_space<hbm>>
      %dma_wait3A_107 = tpu.memref_squeeze %dma_wait3A_106 : memref<1x1x240xi32, #tpu.memory_space<hbm>> -> memref<240xi32, #tpu.memory_space<hbm>>
      tpu.wait_dma2 semaphore(%arg20 : memref<!tpu.dma_semaphore, #tpu.memory_space<semaphore_mem>>) src(%dma_wait3A_107 : memref<240xi32, #tpu.memory_space<hbm>>) dst(%arg8 : memref<240xi32, #tpu.memory_space<vmem>>)
      %scan3A_108 = arith.constant 0 : i32
      %scan3A_109 = arith.constant 5 : i32
      %scan3A_110 = arith.addi %scan3A_108, %scan3A_109 : i32
      %scan3A_111 = arith.constant 1 : i32
      scf.for %scan3A_129 = %scan3A_108 to %scan3A_110 step %scan3A_111  : i32 {
        %mul3A_130 = arith.constant 16 : i32
        %mul3A_131 = arith.muli %scan3A_129, %mul3A_130 : i32
        %add3A_132 = arith.constant 0 : i32
        %add3A_133 = arith.addi %add3A_132, %mul3A_131 : i32
        %get3A = arith.index_cast %add3A_133 : i32 to index
        %get3A_134 = tpu.vector_load %arg8[%get3A] {strides = array<i32>} : memref<240xi32, #tpu.memory_space<vmem>>, vector<16xi32>,
        %add3A_135 = arith.constant 160 : i32
        %add3A_136 = arith.addi %add3A_135, %add3A_133 : i32
        %get3A_137 = arith.index_cast %add3A_136 : i32 to index
        %get3A_138 = tpu.vector_load %arg8[%get3A_137] {strides = array<i32>} : memref<240xi32, #tpu.memory_space<vmem>>, vector<16xi32>,
        %mul3A_139 = arith.constant 10000 : i32
        %mul3A_140 = vector.broadcast %mul3A_139 : i32 to vector<16xi32>
        %mul3A_141 = arith.muli %get3A_138, %mul3A_140 : vector<16xi32>
        %add3A_142 = arith.addi %mul3A_141, %get3A_134 : vector<16xi32>
        %swap3A = arith.index_cast %add3A_133 : i32 to index
        %swap3A_143 = tpu.vector_load %arg12[%swap3A] {strides = array<i32>} : memref<80xi32, #tpu.memory_space<vmem>>, vector<16xi32>,
        tpu.vector_store %arg12[%swap3A], %add3A_142 {strides = array<i32>} : memref<80xi32, #tpu.memory_space<vmem>>, vector<16xi32>,
        %add3A_144 = arith.constant 80 : i32
        %add3A_145 = arith.addi %add3A_144, %add3A_133 : i32
        %get3A_146 = arith.index_cast %add3A_145 : i32 to index
        %get3A_147 = tpu.vector_load %arg8[%get3A_146] {strides = array<i32>} : memref<240xi32, #tpu.memory_space<vmem>>, vector<16xi32>,
        %swap3A_148 = arith.index_cast %add3A_133 : i32 to index
        %swap3A_149 = tpu.vector_load %arg10[%swap3A_148] {strides = array<i32>} : memref<80xi32, #tpu.memory_space<vmem>>, vector<16xi32>,
        tpu.vector_store %arg10[%swap3A_148], %get3A_147 {strides = array<i32>} : memref<80xi32, #tpu.memory_space<vmem>>, vector<16xi32>,
        tpu.vector_store_idx %arg16[%broadcast_in_dim3A_5, %get3A_147], %broadcast_in_dim3A_7 {add = true} : memref<1x10240xf32, #tpu.memory_space<vmem>>[vector<16xi32>, vector<16xi32>], vector<16xf32>,
      }
      %scan3A_112 = arith.constant 5 : i32
      %add3A_113 = arith.constant 2 : i32
      %add3A_114 = arith.addi %add3A_100, %add3A_113 : i32
      %lt3A_115 = arith.constant 125 : i32
      %lt3A_116 = arith.cmpi slt, %add3A_114, %lt3A_115 : i32
      %convert_element_type3A_117 = arith.extui %lt3A_116 : i1 to i32
      %cond3A_118 = arith.constant 0 : i32
      %cond3A_119 = arith.cmpi ne, %convert_element_type3A_117, %cond3A_118 : i32
      scf.if %cond3A_119 {
        %add3A_129 = arith.constant 2 : i32
        %add3A_130 = arith.addi %add3A_100, %add3A_129 : i32
        %dma_start3A_131 = arith.constant 0 : i32
        %dma_start3A_132 = tpu.memref_slice %arg3[%add3A, %add3A_130, %dma_start3A_131] : memref<32x125x240xi32, #tpu.memory_space<hbm>> -> memref<1x1x240xi32, #tpu.memory_space<hbm>>
        %dma_start3A_133 = tpu.memref_squeeze %dma_start3A_132 : memref<1x1x240xi32, #tpu.memory_space<hbm>> -> memref<240xi32, #tpu.memory_space<hbm>>
        %dma_start3A_134 = arith.constant 0 : i32
        %dma_start3A_135 = tpu.memref_slice %arg3[%add3A, %add3A_130, %dma_start3A_134] : memref<32x125x240xi32, #tpu.memory_space<hbm>> -> memref<1x1x240xi32, #tpu.memory_space<hbm>>
        %dma_start3A_136 = tpu.memref_squeeze %dma_start3A_135 : memref<1x1x240xi32, #tpu.memory_space<hbm>> -> memref<240xi32, #tpu.memory_space<hbm>>
        tpu.enqueue_dma source(%dma_start3A_136 : memref<240xi32, #tpu.memory_space<hbm>>) target(%arg8 : memref<240xi32, #tpu.memory_space<vmem>>) target_semaphore(%arg20 : memref<!tpu.dma_semaphore, #tpu.memory_space<semaphore_mem>>)
      } else {
      }
      %dma_start3A_120 = arith.constant 0 : i32
      %dma_start3A_121 = arith.constant 0 : i32
      %dma_start3A_122 = tpu.memref_slice %arg2[%dma_start3A_120, %dma_start3A_121] : memref<50000x128xf32, #tpu.memory_space<hbm>> -> memref<50000x128xf32, #tpu.memory_space<hbm>>
      tpu.enqueue_indirect_dma source(%dma_start3A_122 : memref<50000x128xf32, #tpu.memory_space<hbm>>) target(%arg14 : memref<80x128xf32, #tpu.memory_space<vmem>>) offsets(%arg12 : memref<80xi32, #tpu.memory_space<vmem>>) semaphore(%arg18 : memref<!tpu.dma_semaphore, #tpu.memory_space<semaphore_mem>>)
      %dma_wait3A_123 = arith.constant 0 : i32
      %dma_wait3A_124 = arith.constant 0 : i32
      %dma_wait3A_125 = tpu.memref_slice %arg2[%dma_wait3A_123, %dma_wait3A_124] : memref<50000x128xf32, #tpu.memory_space<hbm>> -> memref<80x128xf32, #tpu.memory_space<hbm>>
      %dma_wait3A_126 = arith.constant 0 : i32
      %dma_wait3A_127 = arith.constant 0 : i32
      %dma_wait3A_128 = tpu.memref_slice %arg2[%dma_wait3A_126, %dma_wait3A_127] : memref<50000x128xf32, #tpu.memory_space<hbm>> -> memref<80x128xf32, #tpu.memory_space<hbm>>
      tpu.wait_dma2 semaphore(%arg19 : memref<!tpu.dma_semaphore, #tpu.memory_space<semaphore_mem>>) src(%dma_wait3A_128 : memref<80x128xf32, #tpu.memory_space<hbm>>) dst(%arg15 : memref<80x128xf32, #tpu.memory_space<vmem>>)
      "tpu.region"() ({
        %run_scoped3A = tpu.sem_alloc : memref<!tpu.dma_semaphore, #tpu.memory_space<semaphore_mem>>
        %dma_start3A_129 = arith.constant 0 : i32
        %dma_start3A_130 = arith.constant 0 : i32
        %dma_start3A_131 = tpu.memref_slice %arg17[%dma_start3A_129, %dma_start3A_130] : memref<10240x128xf32, #tpu.memory_space<vmem_shared>> -> memref<10240x128xf32, #tpu.memory_space<vmem_shared>>
        tpu.enqueue_indirect_dma source(%arg15 : memref<80x128xf32, #tpu.memory_space<vmem>>) target(%dma_start3A_131 : memref<10240x128xf32, #tpu.memory_space<vmem_shared>>) offsets(%arg11 : memref<80xi32, #tpu.memory_space<vmem>>) semaphore(%run_scoped3A : memref<!tpu.dma_semaphore, #tpu.memory_space<semaphore_mem>>) {add = true}
        %dma_wait3A_132 = arith.constant 0 : i32
        %dma_wait3A_133 = arith.constant 0 : i32
        %dma_wait3A_134 = tpu.memref_slice %arg17[%dma_wait3A_132, %dma_wait3A_133] : memref<10240x128xf32, #tpu.memory_space<vmem_shared>> -> memref<10240x128xf32, #tpu.memory_space<vmem_shared>>
        tpu.wait_indirect_dma semaphore(%run_scoped3A : memref<!tpu.dma_semaphore, #tpu.memory_space<semaphore_mem>>) src(%arg15 : memref<80x128xf32, #tpu.memory_space<vmem>>) dst(%dma_wait3A_134 : memref<10240x128xf32, #tpu.memory_space<vmem_shared>>)
        tpu.yield
      }) : () -> ()
    }
    %scan3A_50 = arith.constant 62 : i32
    %dma_wait3A_51 = arith.constant 0 : i32
    %dma_wait3A_52 = arith.constant 0 : i32
    %dma_wait3A_53 = tpu.memref_slice %arg2[%dma_wait3A_51, %dma_wait3A_52] : memref<50000x128xf32, #tpu.memory_space<hbm>> -> memref<80x128xf32, #tpu.memory_space<hbm>>
    %dma_wait3A_54 = arith.constant 0 : i32
    %dma_wait3A_55 = arith.constant 0 : i32
    %dma_wait3A_56 = tpu.memref_slice %arg2[%dma_wait3A_54, %dma_wait3A_55] : memref<50000x128xf32, #tpu.memory_space<hbm>> -> memref<80x128xf32, #tpu.memory_space<hbm>>
    tpu.wait_dma2 semaphore(%arg18 : memref<!tpu.dma_semaphore, #tpu.memory_space<semaphore_mem>>) src(%dma_wait3A_56 : memref<80x128xf32, #tpu.memory_space<hbm>>) dst(%arg14 : memref<80x128xf32, #tpu.memory_space<vmem>>)
    "tpu.region"() ({
      %run_scoped3A = tpu.sem_alloc : memref<!tpu.dma_semaphore, #tpu.memory_space<semaphore_mem>>
      %dma_start3A_65 = arith.constant 0 : i32
      %dma_start3A_66 = arith.constant 0 : i32
      %dma_start3A_67 = tpu.memref_slice %arg17[%dma_start3A_65, %dma_start3A_66] : memref<10240x128xf32, #tpu.memory_space<vmem_shared>> -> memref<10240x128xf32, #tpu.memory_space<vmem_shared>>
      tpu.enqueue_indirect_dma source(%arg14 : memref<80x128xf32, #tpu.memory_space<vmem>>) target(%dma_start3A_67 : memref<10240x128xf32, #tpu.memory_space<vmem_shared>>) offsets(%arg10 : memref<80xi32, #tpu.memory_space<vmem>>) semaphore(%run_scoped3A : memref<!tpu.dma_semaphore, #tpu.memory_space<semaphore_mem>>) {add = true}
      %dma_wait3A_68 = arith.constant 0 : i32
      %dma_wait3A_69 = arith.constant 0 : i32
      %dma_wait3A_70 = tpu.memref_slice %arg17[%dma_wait3A_68, %dma_wait3A_69] : memref<10240x128xf32, #tpu.memory_space<vmem_shared>> -> memref<10240x128xf32, #tpu.memory_space<vmem_shared>>
      tpu.wait_indirect_dma semaphore(%run_scoped3A : memref<!tpu.dma_semaphore, #tpu.memory_space<semaphore_mem>>) src(%arg14 : memref<80x128xf32, #tpu.memory_space<vmem>>) dst(%dma_wait3A_70 : memref<10240x128xf32, #tpu.memory_space<vmem_shared>>)
      tpu.yield
    }) : () -> ()
    %barrier3A_57 = arith.constant 0 : index
    tpu.barrier barrier_id(%barrier3A_57)
    "tpu.region"() ({
      %run_scoped3A = tpu.sem_alloc : memref<!tpu.dma_semaphore, #tpu.memory_space<semaphore_mem>>
      %dma_start3A_65 = arith.constant 0 : i32
      %dma_start3A_66 = arith.constant 0 : i32
      %dma_start3A_67 = tpu.memref_slice %arg7[%add3A, %dma_start3A_65, %dma_start3A_66] : memref<32x1x10240xf32, #tpu.memory_space<hbm>> -> memref<1x1x10240xf32, #tpu.memory_space<hbm>>
      %dma_start3A_68 = tpu.memref_squeeze %dma_start3A_67 : memref<1x1x10240xf32, #tpu.memory_space<hbm>> -> memref<1x10240xf32, #tpu.memory_space<hbm>>
      %dma_start3A_69 = arith.constant 0 : i32
      %dma_start3A_70 = arith.constant 0 : i32
      %dma_start3A_71 = tpu.memref_slice %arg7[%add3A, %dma_start3A_69, %dma_start3A_70] : memref<32x1x10240xf32, #tpu.memory_space<hbm>> -> memref<1x1x10240xf32, #tpu.memory_space<hbm>>
      %dma_start3A_72 = tpu.memref_squeeze %dma_start3A_71 : memref<1x1x10240xf32, #tpu.memory_space<hbm>> -> memref<1x10240xf32, #tpu.memory_space<hbm>>
      tpu.enqueue_dma source(%arg16 : memref<1x10240xf32, #tpu.memory_space<vmem>>) target(%dma_start3A_72 : memref<1x10240xf32, #tpu.memory_space<hbm>>) target_semaphore(%run_scoped3A : memref<!tpu.dma_semaphore, #tpu.memory_space<semaphore_mem>>)
      %dma_wait3A_73 = arith.constant 0 : i32
      %dma_wait3A_74 = arith.constant 0 : i32
      %dma_wait3A_75 = tpu.memref_slice %arg7[%add3A, %dma_wait3A_73, %dma_wait3A_74] : memref<32x1x10240xf32, #tpu.memory_space<hbm>> -> memref<1x1x10240xf32, #tpu.memory_space<hbm>>
      %dma_wait3A_76 = tpu.memref_squeeze %dma_wait3A_75 : memref<1x1x10240xf32, #tpu.memory_space<hbm>> -> memref<1x10240xf32, #tpu.memory_space<hbm>>
      %dma_wait3A_77 = arith.constant 0 : i32
      %dma_wait3A_78 = arith.constant 0 : i32
      %dma_wait3A_79 = tpu.memref_slice %arg7[%add3A, %dma_wait3A_77, %dma_wait3A_78] : memref<32x1x10240xf32, #tpu.memory_space<hbm>> -> memref<1x1x10240xf32, #tpu.memory_space<hbm>>
      %dma_wait3A_80 = tpu.memref_squeeze %dma_wait3A_79 : memref<1x1x10240xf32, #tpu.memory_space<hbm>> -> memref<1x10240xf32, #tpu.memory_space<hbm>>
      tpu.wait_dma2 semaphore(%run_scoped3A : memref<!tpu.dma_semaphore, #tpu.memory_space<semaphore_mem>>) src(%arg16 : memref<1x10240xf32, #tpu.memory_space<vmem>>) dst(%dma_wait3A_80 : memref<1x10240xf32, #tpu.memory_space<hbm>>)
      tpu.yield
    }) : () -> ()
    %eq3A = arith.constant 0 : i32
    %eq3A_58 = arith.cmpi eq, %arg0, %eq3A : i32
    %convert_element_type3A = arith.extui %eq3A_58 : i1 to i32
    %cond3A = arith.constant 0 : i32
    %cond3A_59 = arith.cmpi ne, %convert_element_type3A, %cond3A : i32
    scf.if %cond3A_59 {
      "tpu.region"() ({
        %run_scoped3A = tpu.sem_alloc : memref<!tpu.dma_semaphore, #tpu.memory_space<semaphore_mem>>
        %dma_start3A_65 = arith.constant 0 : i32
        %dma_start3A_66 = tpu.memref_slice %arg5[%mul3A_2, %dma_start3A_65] : memref<10240x128xf32, #tpu.memory_space<hbm>> -> memref<640x128xf32, #tpu.memory_space<hbm>>
        %dma_start3A_67 = arith.constant 0 : i32
        %dma_start3A_68 = tpu.memref_slice %arg17[%mul3A_2, %dma_start3A_67] : memref<10240x128xf32, #tpu.memory_space<vmem_shared>> -> memref<640x128xf32, #tpu.memory_space<vmem_shared>>
        tpu.enqueue_dma source(%dma_start3A_68 : memref<640x128xf32, #tpu.memory_space<vmem_shared>>) target(%dma_start3A_66 : memref<640x128xf32, #tpu.memory_space<hbm>>) target_semaphore(%run_scoped3A : memref<!tpu.dma_semaphore, #tpu.memory_space<semaphore_mem>>)
        %dma_wait3A_69 = arith.constant 0 : i32
        %dma_wait3A_70 = tpu.memref_slice %arg5[%mul3A_2, %dma_wait3A_69] : memref<10240x128xf32, #tpu.memory_space<hbm>> -> memref<640x128xf32, #tpu.memory_space<hbm>>
        %dma_wait3A_71 = arith.constant 0 : i32
        %dma_wait3A_72 = tpu.memref_slice %arg17[%mul3A_2, %dma_wait3A_71] : memref<10240x128xf32, #tpu.memory_space<vmem_shared>> -> memref<640x128xf32, #tpu.memory_space<vmem_shared>>
        tpu.wait_dma2 semaphore(%run_scoped3A : memref<!tpu.dma_semaphore, #tpu.memory_space<semaphore_mem>>) src(%dma_wait3A_72 : memref<640x128xf32, #tpu.memory_space<vmem_shared>>) dst(%dma_wait3A_70 : memref<640x128xf32, #tpu.memory_space<hbm>>)
        tpu.yield
      }) : () -> ()
    } else {
    }
    %eq3A_60 = arith.constant 1 : i32
    %eq3A_61 = arith.cmpi eq, %arg0, %eq3A_60 : i32
    %convert_element_type3A_62 = arith.extui %eq3A_61 : i1 to i32
    %cond3A_63 = arith.constant 0 : i32
    %cond3A_64 = arith.cmpi ne, %convert_element_type3A_62, %cond3A_63 : i32
    scf.if %cond3A_64 {
      "tpu.region"() ({
        %run_scoped3A = tpu.sem_alloc : memref<!tpu.dma_semaphore, #tpu.memory_space<semaphore_mem>>
        %dma_start3A_65 = arith.constant 0 : i32
        %dma_start3A_66 = tpu.memref_slice %arg6[%mul3A_2, %dma_start3A_65] : memref<10240x128xf32, #tpu.memory_space<hbm>> -> memref<640x128xf32, #tpu.memory_space<hbm>>
        %dma_start3A_67 = arith.constant 0 : i32
        %dma_start3A_68 = tpu.memref_slice %arg17[%mul3A_2, %dma_start3A_67] : memref<10240x128xf32, #tpu.memory_space<vmem_shared>> -> memref<640x128xf32, #tpu.memory_space<vmem_shared>>
        tpu.enqueue_dma source(%dma_start3A_68 : memref<640x128xf32, #tpu.memory_space<vmem_shared>>) target(%dma_start3A_66 : memref<640x128xf32, #tpu.memory_space<hbm>>) target_semaphore(%run_scoped3A : memref<!tpu.dma_semaphore, #tpu.memory_space<semaphore_mem>>)
        %dma_wait3A_69 = arith.constant 0 : i32
        %dma_wait3A_70 = tpu.memref_slice %arg6[%mul3A_2, %dma_wait3A_69] : memref<10240x128xf32, #tpu.memory_space<hbm>> -> memref<640x128xf32, #tpu.memory_space<hbm>>
        %dma_wait3A_71 = arith.constant 0 : i32
        %dma_wait3A_72 = tpu.memref_slice %arg17[%mul3A_2, %dma_wait3A_71] : memref<10240x128xf32, #tpu.memory_space<vmem_shared>> -> memref<640x128xf32, #tpu.memory_space<vmem_shared>>
        tpu.wait_dma2 semaphore(%run_scoped3A : memref<!tpu.dma_semaphore, #tpu.memory_space<semaphore_mem>>) src(%dma_wait3A_72 : memref<640x128xf32, #tpu.memory_space<vmem_shared>>) dst(%dma_wait3A_70 : memref<640x128xf32, #tpu.memory_space<hbm>>)
        tpu.yield
      }) : () -> ()
    } else {
    }
    return
  }
}

module attributes {stable_mosaic.version = 14 : i64} {
  func.func @_hp_body(%arg0: i32, %arg1: memref<1000x128xf32, #tpu.memory_space<vmem>>, %arg2: memref<5x128xf32, #tpu.memory_space<vmem>>, %arg3: memref<5x1000x128xf32, #tpu.memory_space<vmem>>) attributes {dimension_semantics = [#tpu.dimension_semantics<arbitrary>], iteration_bounds = array<i64: 10>, scalar_prefetch = 0 : i64, scratch_operands = 0 : i64, tpu.core_type = #tpu.core_type<tc>, window_params = [{transform_indices = @transform_0, window_bounds = array<i64: 1000, 128>}, {pipeline_mode = #tpu.pipeline_mode<synchronous>, transform_indices = @transform_1, window_bounds = array<i64: 5, 128>}, {transform_indices = @transform_2, window_bounds = array<i64: 5, 1000, 128>}]} {
    %get3A = arith.constant 0 : index
    %get3A_0 = arith.constant 0 : index
    %get3A_1 = vector.load %arg1[%get3A, %get3A_0] : memref<1000x128xf32, #tpu.memory_space<vmem>>, vector<1000x128xf32>
    %get3A_2 = arith.constant 0 : index
    %get3A_3 = arith.constant 0 : index
    %get3A_4 = vector.load %arg2[%get3A_2, %get3A_3] : memref<5x128xf32, #tpu.memory_space<vmem>>, vector<1x128xf32>
    %get3A_5 = vector.shape_cast %get3A_4 : vector<1x128xf32> to vector<128xf32>
    %broadcast_in_dim3A = vector.shape_cast %get3A_5 : vector<128xf32> to vector<1x128xf32>
    %add3A = vector.broadcast %broadcast_in_dim3A : vector<1x128xf32> to vector<1000x128xf32>
    %add3A_6 = arith.addf %get3A_1, %add3A : vector<1000x128xf32>
    %max3A = arith.constant 0.000000e+00 : f32
    %max3A_7 = vector.broadcast %max3A : f32 to vector<1000x128xf32>
    %max3A_8 = arith.maximumf %add3A_6, %max3A_7 : vector<1000x128xf32>
    %swap3A = arith.constant 0 : index
    %swap3A_9 = arith.constant 0 : index
    %swap3A_10 = arith.constant 0 : index
    %swap3A_11 = vector.load %arg3[%swap3A, %swap3A_9, %swap3A_10] : memref<5x1000x128xf32, #tpu.memory_space<vmem>>, vector<1x1000x128xf32>
    %swap3A_12 = vector.shape_cast %swap3A_11 : vector<1x1000x128xf32> to vector<1000x128xf32>
    %swap3A_13 = vector.shape_cast %max3A_8 : vector<1000x128xf32> to vector<1x1000x128xf32>
    tpu.vector_store %arg3[%swap3A, %swap3A_9, %swap3A_10], %swap3A_13 {strides = array<i32>} : memref<5x1000x128xf32, #tpu.memory_space<vmem>>, vector<1x1000x128xf32>,
    %get3A_14 = arith.constant 1 : index
    %get3A_15 = arith.constant 0 : index
    %get3A_16 = vector.load %arg2[%get3A_14, %get3A_15] : memref<5x128xf32, #tpu.memory_space<vmem>>, vector<1x128xf32>
    %get3A_17 = vector.shape_cast %get3A_16 : vector<1x128xf32> to vector<128xf32>
    %broadcast_in_dim3A_18 = vector.shape_cast %get3A_17 : vector<128xf32> to vector<1x128xf32>
    %add3A_19 = vector.broadcast %broadcast_in_dim3A_18 : vector<1x128xf32> to vector<1000x128xf32>
    %add3A_20 = arith.addf %get3A_1, %add3A_19 : vector<1000x128xf32>
    %max3A_21 = arith.constant 0.000000e+00 : f32
    %max3A_22 = vector.broadcast %max3A_21 : f32 to vector<1000x128xf32>
    %max3A_23 = arith.maximumf %add3A_20, %max3A_22 : vector<1000x128xf32>
    %swap3A_24 = arith.constant 1 : index
    %swap3A_25 = arith.constant 0 : index
    %swap3A_26 = arith.constant 0 : index
    %swap3A_27 = vector.load %arg3[%swap3A_24, %swap3A_25, %swap3A_26] : memref<5x1000x128xf32, #tpu.memory_space<vmem>>, vector<1x1000x128xf32>
    %swap3A_28 = vector.shape_cast %swap3A_27 : vector<1x1000x128xf32> to vector<1000x128xf32>
    %swap3A_29 = vector.shape_cast %max3A_23 : vector<1000x128xf32> to vector<1x1000x128xf32>
    tpu.vector_store %arg3[%swap3A_24, %swap3A_25, %swap3A_26], %swap3A_29 {strides = array<i32>} : memref<5x1000x128xf32, #tpu.memory_space<vmem>>, vector<1x1000x128xf32>,
    %get3A_30 = arith.constant 2 : index
    %get3A_31 = arith.constant 0 : index
    %get3A_32 = vector.load %arg2[%get3A_30, %get3A_31] : memref<5x128xf32, #tpu.memory_space<vmem>>, vector<1x128xf32>
    %get3A_33 = vector.shape_cast %get3A_32 : vector<1x128xf32> to vector<128xf32>
    %broadcast_in_dim3A_34 = vector.shape_cast %get3A_33 : vector<128xf32> to vector<1x128xf32>
    %add3A_35 = vector.broadcast %broadcast_in_dim3A_34 : vector<1x128xf32> to vector<1000x128xf32>
    %add3A_36 = arith.addf %get3A_1, %add3A_35 : vector<1000x128xf32>
    %max3A_37 = arith.constant 0.000000e+00 : f32
    %max3A_38 = vector.broadcast %max3A_37 : f32 to vector<1000x128xf32>
    %max3A_39 = arith.maximumf %add3A_36, %max3A_38 : vector<1000x128xf32>
    %swap3A_40 = arith.constant 2 : index
    %swap3A_41 = arith.constant 0 : index
    %swap3A_42 = arith.constant 0 : index
    %swap3A_43 = vector.load %arg3[%swap3A_40, %swap3A_41, %swap3A_42] : memref<5x1000x128xf32, #tpu.memory_space<vmem>>, vector<1x1000x128xf32>
    %swap3A_44 = vector.shape_cast %swap3A_43 : vector<1x1000x128xf32> to vector<1000x128xf32>
    %swap3A_45 = vector.shape_cast %max3A_39 : vector<1000x128xf32> to vector<1x1000x128xf32>
    tpu.vector_store %arg3[%swap3A_40, %swap3A_41, %swap3A_42], %swap3A_45 {strides = array<i32>} : memref<5x1000x128xf32, #tpu.memory_space<vmem>>, vector<1x1000x128xf32>,
    %get3A_46 = arith.constant 3 : index
    %get3A_47 = arith.constant 0 : index
    %get3A_48 = vector.load %arg2[%get3A_46, %get3A_47] : memref<5x128xf32, #tpu.memory_space<vmem>>, vector<1x128xf32>
    %get3A_49 = vector.shape_cast %get3A_48 : vector<1x128xf32> to vector<128xf32>
    %broadcast_in_dim3A_50 = vector.shape_cast %get3A_49 : vector<128xf32> to vector<1x128xf32>
    %add3A_51 = vector.broadcast %broadcast_in_dim3A_50 : vector<1x128xf32> to vector<1000x128xf32>
    %add3A_52 = arith.addf %get3A_1, %add3A_51 : vector<1000x128xf32>
    %max3A_53 = arith.constant 0.000000e+00 : f32
    %max3A_54 = vector.broadcast %max3A_53 : f32 to vector<1000x128xf32>
    %max3A_55 = arith.maximumf %add3A_52, %max3A_54 : vector<1000x128xf32>
    %swap3A_56 = arith.constant 3 : index
    %swap3A_57 = arith.constant 0 : index
    %swap3A_58 = arith.constant 0 : index
    %swap3A_59 = vector.load %arg3[%swap3A_56, %swap3A_57, %swap3A_58] : memref<5x1000x128xf32, #tpu.memory_space<vmem>>, vector<1x1000x128xf32>
    %swap3A_60 = vector.shape_cast %swap3A_59 : vector<1x1000x128xf32> to vector<1000x128xf32>
    %swap3A_61 = vector.shape_cast %max3A_55 : vector<1000x128xf32> to vector<1x1000x128xf32>
    tpu.vector_store %arg3[%swap3A_56, %swap3A_57, %swap3A_58], %swap3A_61 {strides = array<i32>} : memref<5x1000x128xf32, #tpu.memory_space<vmem>>, vector<1x1000x128xf32>,
    %get3A_62 = arith.constant 4 : index
    %get3A_63 = arith.constant 0 : index
    %get3A_64 = vector.load %arg2[%get3A_62, %get3A_63] : memref<5x128xf32, #tpu.memory_space<vmem>>, vector<1x128xf32>
    %get3A_65 = vector.shape_cast %get3A_64 : vector<1x128xf32> to vector<128xf32>
    %broadcast_in_dim3A_66 = vector.shape_cast %get3A_65 : vector<128xf32> to vector<1x128xf32>
    %add3A_67 = vector.broadcast %broadcast_in_dim3A_66 : vector<1x128xf32> to vector<1000x128xf32>
    %add3A_68 = arith.addf %get3A_1, %add3A_67 : vector<1000x128xf32>
    %max3A_69 = arith.constant 0.000000e+00 : f32
    %max3A_70 = vector.broadcast %max3A_69 : f32 to vector<1000x128xf32>
    %max3A_71 = arith.maximumf %add3A_68, %max3A_70 : vector<1000x128xf32>
    %swap3A_72 = arith.constant 4 : index
    %swap3A_73 = arith.constant 0 : index
    %swap3A_74 = arith.constant 0 : index
    %swap3A_75 = vector.load %arg3[%swap3A_72, %swap3A_73, %swap3A_74] : memref<5x1000x128xf32, #tpu.memory_space<vmem>>, vector<1x1000x128xf32>
    %swap3A_76 = vector.shape_cast %swap3A_75 : vector<1x1000x128xf32> to vector<1000x128xf32>
    %swap3A_77 = vector.shape_cast %max3A_71 : vector<1000x128xf32> to vector<1x1000x128xf32>
    tpu.vector_store %arg3[%swap3A_72, %swap3A_73, %swap3A_74], %swap3A_77 {strides = array<i32>} : memref<5x1000x128xf32, #tpu.memory_space<vmem>>, vector<1x1000x128xf32>,
    return
  }
  func.func @transform_0(%arg0: i32) -> (i32, i32) {
    %c0_i32 = arith.constant 0 : i32
    %c0_i32_0 = arith.constant 0 : i32
    return %arg0, %c0_i32 : i32, i32
  }
  func.func @transform_1(%arg0: i32) -> (i32, i32) {
    %c0_i32 = arith.constant 0 : i32
    %c0_i32_0 = arith.constant 0 : i32
    %c0_i32_1 = arith.constant 0 : i32
    return %c0_i32, %c0_i32_0 : i32, i32
  }
  func.func @transform_2(%arg0: i32) -> (i32, i32, i32) {
    %c0_i32 = arith.constant 0 : i32
    %c0_i32_0 = arith.constant 0 : i32
    %c0_i32_1 = arith.constant 0 : i32
    return %c0_i32, %arg0, %c0_i32_0 : i32, i32, i32
  }
}

module attributes {stable_mosaic.version = 14 : i64} {
  func.func @_fin_body(%arg0: i32, %arg1: memref<1024x128xf32, #tpu.memory_space<vmem>>, %arg2: memref<1024x128xf32, #tpu.memory_space<vmem>>, %arg3: memref<32x8x128xf32, #tpu.memory_space<vmem>>, %arg4: memref<128x128xf32, #tpu.memory_space<vmem>>, %arg5: memref<1x128xf32, #tpu.memory_space<vmem>>, %arg6: memref<1024x128xf32, #tpu.memory_space<vmem>>) attributes {dimension_semantics = [#tpu.dimension_semantics<arbitrary>], iteration_bounds = array<i64: 10>, scalar_prefetch = 0 : i64, scratch_operands = 0 : i64, tpu.core_type = #tpu.core_type<tc>, window_params = [{transform_indices = @transform_0, window_bounds = array<i64: 1024, 128>}, {transform_indices = @transform_1, window_bounds = array<i64: 1024, 128>}, {transform_indices = @transform_2, window_bounds = array<i64: 32, 8, 128>}, {pipeline_mode = #tpu.pipeline_mode<synchronous>, transform_indices = @transform_3, window_bounds = array<i64: 128, 128>}, {pipeline_mode = #tpu.pipeline_mode<synchronous>, transform_indices = @transform_4, window_bounds = array<i64: 1, 128>}, {transform_indices = @transform_5, window_bounds = array<i64: 1024, 128>}]} {
    %get3A = arith.constant 0 : index
    %get3A_0 = arith.constant 0 : index
    %get3A_1 = vector.load %arg1[%get3A, %get3A_0] : memref<1024x128xf32, #tpu.memory_space<vmem>>, vector<1024x128xf32>
    %get3A_2 = arith.constant 0 : index
    %get3A_3 = arith.constant 0 : index
    %get3A_4 = vector.load %arg2[%get3A_2, %get3A_3] : memref<1024x128xf32, #tpu.memory_space<vmem>>, vector<1024x128xf32>
    %add3A = arith.addf %get3A_1, %get3A_4 : vector<1024x128xf32>
    %get3A_5 = arith.constant 0 : index
    %get3A_6 = arith.constant 0 : index
    %get3A_7 = arith.constant 0 : index
    %get3A_8 = vector.load %arg3[%get3A_5, %get3A_6, %get3A_7] : memref<32x8x128xf32, #tpu.memory_space<vmem>>, vector<32x8x128xf32>
    %reduce_sum3A = arith.constant dense<0.000000e+00> : vector<8x128xf32>
    %reduce_sum3A_9 = vector.multi_reduction <add>, %get3A_8, %reduce_sum3A [0] : vector<32x8x128xf32> to vector<8x128xf32>
    %iota3A = tpu.iota {dimensions = array<i32: 0>} : vector<128x128xi32>
    %iota3A_10 = tpu.iota {dimensions = array<i32: 1>} : vector<128x128xi32>
    %eq3A = arith.cmpi eq, %iota3A, %iota3A_10 : vector<128x128xi32>
    %convert_element_type3A = arith.extui %eq3A : vector<128x128xi1> to vector<128x128xi32>
    %convert_element_type3A_11 = arith.sitofp %convert_element_type3A : vector<128x128xi32> to vector<128x128xf32>
    %dot_general3A = arith.constant dense<0.000000e+00> : vector<128x8xf32>
    %dot_general3A_12 = tpu.matmul %convert_element_type3A_11, %reduce_sum3A_9, %dot_general3A {dimension_numbers = #tpu.dot_dimension_numbers<[1], [1], [0], [0], [0, 0, 1, 0], [], []>, transpose_lhs_hint = false} : vector<128x128xf32>, vector<8x128xf32>, vector<128x8xf32> -> vector<128x8xf32>
    %slice3A = vector.extract_strided_slice %dot_general3A_12 {offsets = [0, 0], sizes = [128, 1], strides = [1, 1]} : vector<128x8xf32> to vector<128x1xf32>
    %max3A = arith.constant 1.000000e+00 : f32
    %max3A_13 = vector.broadcast %max3A : f32 to vector<128x1xf32>
    %max3A_14 = arith.maximumf %slice3A, %max3A_13 : vector<128x1xf32>
    %slice3A_15 = vector.extract_strided_slice %add3A {offsets = [0, 0], sizes = [128, 128], strides = [1, 1]} : vector<1024x128xf32> to vector<128x128xf32>
    %div3A = vector.broadcast %max3A_14 : vector<128x1xf32> to vector<128x128xf32>
    %div3A_16 = arith.divf %slice3A_15, %div3A : vector<128x128xf32>
    %slice3A_17 = vector.extract_strided_slice %dot_general3A_12 {offsets = [0, 1], sizes = [128, 1], strides = [1, 1]} : vector<128x8xf32> to vector<128x1xf32>
    %max3A_18 = arith.constant 1.000000e+00 : f32
    %max3A_19 = vector.broadcast %max3A_18 : f32 to vector<128x1xf32>
    %max3A_20 = arith.maximumf %slice3A_17, %max3A_19 : vector<128x1xf32>
    %slice3A_21 = vector.extract_strided_slice %add3A {offsets = [128, 0], sizes = [128, 128], strides = [1, 1]} : vector<1024x128xf32> to vector<128x128xf32>
    %div3A_22 = vector.broadcast %max3A_20 : vector<128x1xf32> to vector<128x128xf32>
    %div3A_23 = arith.divf %slice3A_21, %div3A_22 : vector<128x128xf32>
    %slice3A_24 = vector.extract_strided_slice %dot_general3A_12 {offsets = [0, 2], sizes = [128, 1], strides = [1, 1]} : vector<128x8xf32> to vector<128x1xf32>
    %max3A_25 = arith.constant 1.000000e+00 : f32
    %max3A_26 = vector.broadcast %max3A_25 : f32 to vector<128x1xf32>
    %max3A_27 = arith.maximumf %slice3A_24, %max3A_26 : vector<128x1xf32>
    %slice3A_28 = vector.extract_strided_slice %add3A {offsets = [256, 0], sizes = [128, 128], strides = [1, 1]} : vector<1024x128xf32> to vector<128x128xf32>
    %div3A_29 = vector.broadcast %max3A_27 : vector<128x1xf32> to vector<128x128xf32>
    %div3A_30 = arith.divf %slice3A_28, %div3A_29 : vector<128x128xf32>
    %slice3A_31 = vector.extract_strided_slice %dot_general3A_12 {offsets = [0, 3], sizes = [128, 1], strides = [1, 1]} : vector<128x8xf32> to vector<128x1xf32>
    %max3A_32 = arith.constant 1.000000e+00 : f32
    %max3A_33 = vector.broadcast %max3A_32 : f32 to vector<128x1xf32>
    %max3A_34 = arith.maximumf %slice3A_31, %max3A_33 : vector<128x1xf32>
    %slice3A_35 = vector.extract_strided_slice %add3A {offsets = [384, 0], sizes = [128, 128], strides = [1, 1]} : vector<1024x128xf32> to vector<128x128xf32>
    %div3A_36 = vector.broadcast %max3A_34 : vector<128x1xf32> to vector<128x128xf32>
    %div3A_37 = arith.divf %slice3A_35, %div3A_36 : vector<128x128xf32>
    %slice3A_38 = vector.extract_strided_slice %dot_general3A_12 {offsets = [0, 4], sizes = [128, 1], strides = [1, 1]} : vector<128x8xf32> to vector<128x1xf32>
    %max3A_39 = arith.constant 1.000000e+00 : f32
    %max3A_40 = vector.broadcast %max3A_39 : f32 to vector<128x1xf32>
    %max3A_41 = arith.maximumf %slice3A_38, %max3A_40 : vector<128x1xf32>
    %slice3A_42 = vector.extract_strided_slice %add3A {offsets = [512, 0], sizes = [128, 128], strides = [1, 1]} : vector<1024x128xf32> to vector<128x128xf32>
    %div3A_43 = vector.broadcast %max3A_41 : vector<128x1xf32> to vector<128x128xf32>
    %div3A_44 = arith.divf %slice3A_42, %div3A_43 : vector<128x128xf32>
    %slice3A_45 = vector.extract_strided_slice %dot_general3A_12 {offsets = [0, 5], sizes = [128, 1], strides = [1, 1]} : vector<128x8xf32> to vector<128x1xf32>
    %max3A_46 = arith.constant 1.000000e+00 : f32
    %max3A_47 = vector.broadcast %max3A_46 : f32 to vector<128x1xf32>
    %max3A_48 = arith.maximumf %slice3A_45, %max3A_47 : vector<128x1xf32>
    %slice3A_49 = vector.extract_strided_slice %add3A {offsets = [640, 0], sizes = [128, 128], strides = [1, 1]} : vector<1024x128xf32> to vector<128x128xf32>
    %div3A_50 = vector.broadcast %max3A_48 : vector<128x1xf32> to vector<128x128xf32>
    %div3A_51 = arith.divf %slice3A_49, %div3A_50 : vector<128x128xf32>
    %slice3A_52 = vector.extract_strided_slice %dot_general3A_12 {offsets = [0, 6], sizes = [128, 1], strides = [1, 1]} : vector<128x8xf32> to vector<128x1xf32>
    %max3A_53 = arith.constant 1.000000e+00 : f32
    %max3A_54 = vector.broadcast %max3A_53 : f32 to vector<128x1xf32>
    %max3A_55 = arith.maximumf %slice3A_52, %max3A_54 : vector<128x1xf32>
    %slice3A_56 = vector.extract_strided_slice %add3A {offsets = [768, 0], sizes = [128, 128], strides = [1, 1]} : vector<1024x128xf32> to vector<128x128xf32>
    %div3A_57 = vector.broadcast %max3A_55 : vector<128x1xf32> to vector<128x128xf32>
    %div3A_58 = arith.divf %slice3A_56, %div3A_57 : vector<128x128xf32>
    %slice3A_59 = vector.extract_strided_slice %dot_general3A_12 {offsets = [0, 7], sizes = [128, 1], strides = [1, 1]} : vector<128x8xf32> to vector<128x1xf32>
    %max3A_60 = arith.constant 1.000000e+00 : f32
    %max3A_61 = vector.broadcast %max3A_60 : f32 to vector<128x1xf32>
    %max3A_62 = arith.maximumf %slice3A_59, %max3A_61 : vector<128x1xf32>
    %slice3A_63 = vector.extract_strided_slice %add3A {offsets = [896, 0], sizes = [128, 128], strides = [1, 1]} : vector<1024x128xf32> to vector<128x128xf32>
    %div3A_64 = vector.broadcast %max3A_62 : vector<128x1xf32> to vector<128x128xf32>
    %div3A_65 = arith.divf %slice3A_63, %div3A_64 : vector<128x128xf32>
    %concatenate3A = tpu.concatenate %div3A_16, %div3A_23, %div3A_30, %div3A_37, %div3A_44, %div3A_51, %div3A_58, %div3A_65 in 0 : vector<128x128xf32>, vector<128x128xf32>, vector<128x128xf32>, vector<128x128xf32>, vector<128x128xf32>, vector<128x128xf32>, vector<128x128xf32>, vector<128x128xf32> -> vector<1024x128xf32>
    %get3A_66 = arith.constant 0 : index
    %get3A_67 = arith.constant 0 : index
    %get3A_68 = vector.load %arg4[%get3A_66, %get3A_67] : memref<128x128xf32, #tpu.memory_space<vmem>>, vector<128x128xf32>
    %dot_general3A_69 = arith.constant dense<0.000000e+00> : vector<1024x128xf32>
    %dot_general3A_70 = tpu.matmul %concatenate3A, %get3A_68, %dot_general3A_69 {dimension_numbers = #tpu.dot_dimension_numbers<[1], [1], [0], [0], [0, 0, 1, 0], [], []>, transpose_lhs_hint = false} : vector<1024x128xf32>, vector<128x128xf32>, vector<1024x128xf32> -> vector<1024x128xf32>
    %get3A_71 = arith.constant 0 : index
    %get3A_72 = arith.constant 0 : index
    %get3A_73 = vector.load %arg5[%get3A_71, %get3A_72] : memref<1x128xf32, #tpu.memory_space<vmem>>, vector<1x128xf32>
    %add3A_74 = vector.broadcast %get3A_73 : vector<1x128xf32> to vector<1024x128xf32>
    %add3A_75 = arith.addf %dot_general3A_70, %add3A_74 : vector<1024x128xf32>
    %swap3A = arith.constant 0 : index
    %swap3A_76 = arith.constant 0 : index
    %swap3A_77 = vector.load %arg6[%swap3A, %swap3A_76] : memref<1024x128xf32, #tpu.memory_space<vmem>>, vector<1024x128xf32>
    tpu.vector_store %arg6[%swap3A, %swap3A_76], %add3A_75 {strides = array<i32>} : memref<1024x128xf32, #tpu.memory_space<vmem>>, vector<1024x128xf32>,
    return
  }
  func.func @transform_0(%arg0: i32) -> (i32, i32) {
    %c0_i32 = arith.constant 0 : i32
    %c0_i32_0 = arith.constant 0 : i32
    return %arg0, %c0_i32 : i32, i32
  }
  func.func @transform_1(%arg0: i32) -> (i32, i32) {
    %c0_i32 = arith.constant 0 : i32
    %c0_i32_0 = arith.constant 0 : i32
    return %arg0, %c0_i32 : i32, i32
  }
  func.func @transform_2(%arg0: i32) -> (i32, i32, i32) {
    %c0_i32 = arith.constant 0 : i32
    %c0_i32_0 = arith.constant 0 : i32
    %c0_i32_1 = arith.constant 0 : i32
    return %c0_i32, %arg0, %c0_i32_0 : i32, i32, i32
  }
  func.func @transform_3(%arg0: i32) -> (i32, i32) {
    %c0_i32 = arith.constant 0 : i32
    %c0_i32_0 = arith.constant 0 : i32
    %c0_i32_1 = arith.constant 0 : i32
    return %c0_i32, %c0_i32_0 : i32, i32
  }
  func.func @transform_4(%arg0: i32) -> (i32, i32) {
    %c0_i32 = arith.constant 0 : i32
    %c0_i32_0 = arith.constant 0 : i32
    %c0_i32_1 = arith.constant 0 : i32
    return %c0_i32, %c0_i32_0 : i32, i32
  }
  func.func @transform_5(%arg0: i32) -> (i32, i32) {
    %c0_i32 = arith.constant 0 : i32
    %c0_i32_0 = arith.constant 0 : i32
    return %arg0, %c0_i32 : i32, i32
  }
}

</mosaic_0001>

<sc_bundles>
// kernel: kernel.5.cloned.1.call-start
scs
__scs_entry_jumppad:
0x0: {  	(pc) =	sbr.rel $0x88, $3  }
0x1: {  	(tag) =	ssettag $0x0;
	lr =	simm.s32 $0x1  }
0x2: {  	[smem:$0x3F9B] =	sst lr;
	_ =	strace $0xD0000000  }
0x3: {  	_ = 	snop  }
0x4: {  	_ = 	snop  }
0x5: {  	_ = 	snop  }
0x6: {  	_ = 	snop  }
0x7: {  	_ = 	snop  }
__scs_overlays_trampoline_lowered:
0x8: {  	[smem:$0x3FAA] =	sst s0  }
0x9: {  	[smem:$0x3FAB] =	sst s1  }
0xa: {  	[smem:$0x3FAC] =	sst s2  }
0xb: {  	[smem:$0x3FAD] =	sst s3  }
0xc: {  	[smem:$0x3FAE] =	sst s4  }
0xd: {  	[smem:$0x3FAF] =	sst s5  }
0xe: {  	[smem:$0x3FB0] =	sst s6  }
0xf: {  	[smem:$0x3FB1] =	sst s7  }
0x10: {  	[smem:$0x3FB2] =	sst s8  }
0x11: {  	[smem:$0x3FB3] =	sst s9;
	s0 =	simm.s32 @!p0 $0x0  }
0x12: {  	s1 =	sld [smem:$0x3F99];
	s0 =	simm.s32 @p0 $0x1  }
0x13: {  	[smem:$0x3FB4] =	sst s0;
	s0 =	simm.s32 @!p1 $0x0  }
0x14: {  	s2 =	sld [smem:$0x3F98];
	s0 =	simm.s32 @p1 $0x1  }
0x15: {  	[smem:$0x3FB5] =	sst s0;
	s0 =	simm.s32 @!p2 $0x0  }
0x16: {  	s3 =	sld [smem:$0x3FDB];
	s0 =	simm.s32 @p2 $0x1  }
0x17: {  	s4 =	simm.s32 $0x1BF5;
	[smem:$0x3FB7] =	sst s0  }
0x18: {  	s0 =	sld [smem:$0x3F9A];
	_ =	swait.ge [sflag:s4], $0x0  }
0x19: {  	s7 =	sld [smem:$0x3F9B]  }
0x1a: {  	s8 =	sadd.s32 $0xFFFFE003, lr  }
0x1b: {  	s9 =	sadd.s32 $0xFFFFFEF7, lr;
	s5 =	simm.s32 $0xFFFFFFFF;
	p2 =	slt.u32 s8, $0xFFFFF086  }
0x1c: {  	p1 =	slt.u32 s9, $0xF7A;
	s5 =	simm.s32 @!p2 $0x0  }
0x1d: {  	s5 =	simm.s32 @p1 $0x1;
	p0 =	seq.s32 s7, s2  }
0x1e: {  	s7 =	smul.u32 @!p0 $0xF7A, s2;
	p2 =	seq.s32 @!p0 s5, $0x0  }
0x1f: {  	s9 =	smul.u32 $0xF7A, s1;
	s8 =	simm.s32 @!p0 $0x1BF5;
	p2 =	por !p2, p0  }
0x20: {  	[sflag:s8] =	ssyncset.s32 @!p0 $0xFFFFF086;
	s6 =	sadd.s32 @!p0 s3, s7;
	s7 =	simm.s32 @!p0 $0x108  }
0x21: {  	s3 =	sadd.s32 s3, s9;
	s6 =	sadd.s32 @!p0 $0x88, s6;
	s7 =	simm.s32 @p2 $0x1082  }
0x22: {  	[simem:s7], [sflag:s8] =	dma.local @!p0 [hbm:s6], $0xF7A  }
0x23: {  	s9 =	sor.u32 $0xD0000000, s2;
	s6 =	simm.s32 $0x108;
	_ =	swait.ge @!p0 [sflag:s8], $0x0  }
0x24: {  	s3 =	sadd.s32 $0x88, s3;
	s6 =	simm.s32 @!p1 $0x1082;
	[sflag:s4] =	ssyncset.s32 $0xFFFFF086  }
0x25: {  	[simem:s6], [sflag:s4] =	dma.local [hbm:s3], $0xF7A  }
0x26: {  	[smem:$0x3F9B] =	sst s1;
	(tag) =	ssettag s2;
	_ =	strace s9  }
0x27: {  	s1 =	sld [smem:$0x3FAB]  }
0x28: {  	s2 =	sld [smem:$0x3FAC]  }
0x29: {  	s4 =	sld [smem:$0x3FAE]  }
0x2a: {  	p0 =	seq.s32 s5, $0x0;
	s5 =	sld [smem:$0x3FAF]  }
0x2b: {  	s6 =	sld [smem:$0x3FB0]  }
0x2c: {  	s7 =	sld [smem:$0x3FB1]  }
0x2d: {  	s3 =	simm.s32 $0x108;
	s8 =	sld [smem:$0x3FB2]  }
0x2e: {  	s3 =	simm.s32 @!p0 $0x1082;
	s9 =	sld [smem:$0x3FB3]  }
0x2f: {  	lr =	sadd.s32 s0, s3;
	s0 =	sld [smem:$0x3FAA]  }
0x30: {  	s3 =	sld [smem:$0x3FAD]  }
0x31: {  	[smem:$0x3FB6] =	sst s10  }
0x32: {  	s10 =	sld [smem:$0x3FB4];
	_ =	sdelay $0x3  }
0x33: {  	p0 =	seq.s32 s10, $0x1;
	s10 =	sld [smem:$0x3FB6];
	_ =	sdelay $0x3  }
0x34: {  	[smem:$0x3FB6] =	sst s10  }
0x35: {  	s10 =	sld [smem:$0x3FB5];
	_ =	sdelay $0x3  }
0x36: {  	p1 =	seq.s32 s10, $0x1;
	s10 =	sld [smem:$0x3FB6];
	_ =	sdelay $0x3  }
0x37: {  	[smem:$0x3FB6] =	sst s10  }
0x38: {  	s10 =	sld [smem:$0x3FB7]  }
0x39: {  	_ = 	snop;
	(pc) =	sbr.ind lr, $3  }
0x3a: {  	_ = 	snop  }
0x3b: {  	_ = 	snop  }
0x3c: {  	p2 =	seq.s32 s10, $0x1;
	s10 =	sld [smem:$0x3FB6]  }
0x3d: {  	_ =	shalt  }
0x3e: {  	_ =	shalt  }
0x3f: {  	_ =	shalt  }
0x40: {  	_ =	shalt  }
0x41: {  	_ =	shalt  }
0x42: {  	_ =	shalt  }
0x43: {  	_ =	shalt  }
0x44: {  	_ =	shalt  }
0x45: {  	_ =	shalt  }
0x46: {  	_ =	shalt  }
0x47: {  	_ =	shalt  }
0x48: {  	_ =	shalt  }
0x49: {  	_ =	shalt  }
0x4a: {  	_ =	shalt  }
0x4b: {  	_ =	shalt  }
0x4c: {  	_ =	shalt  }
0x4d: {  	_ =	shalt  }
0x4e: {  	_ =	shalt  }
0x4f: {  	_ =	shalt  }
0x50: {  	_ =	shalt  }
0x51: {  	_ =	shalt  }
0x52: {  	_ =	shalt  }
0x53: {  	_ =	shalt  }
0x54: {  	_ =	shalt  }
0x55: {  	_ =	shalt  }
0x56: {  	_ =	shalt  }
0x57: {  	_ =	shalt  }
0x58: {  	_ =	shalt  }
0x59: {  	_ =	shalt  }
0x5a: {  	_ =	shalt  }
0x5b: {  	_ =	shalt  }
0x5c: {  	_ =	shalt  }
0x5d: {  	_ =	shalt  }
0x5e: {  	_ =	shalt  }
0x5f: {  	_ =	shalt  }
0x60: {  	_ =	shalt  }
0x61: {  	_ =	shalt  }
0x62: {  	_ =	shalt  }
0x63: {  	_ =	shalt  }
0x64: {  	_ =	shalt  }
0x65: {  	_ =	shalt  }
0x66: {  	_ =	shalt  }
0x67: {  	_ =	shalt  }
0x68: {  	_ =	shalt  }
0x69: {  	_ =	shalt  }
0x6a: {  	_ =	shalt  }
0x6b: {  	_ =	shalt  }
0x6c: {  	_ =	shalt  }
0x6d: {  	_ =	shalt  }
0x6e: {  	_ =	shalt  }
0x6f: {  	_ =	shalt  }
0x70: {  	_ =	shalt  }
0x71: {  	_ =	shalt  }
0x72: {  	_ =	shalt  }
0x73: {  	_ =	shalt  }
0x74: {  	_ =	shalt  }
0x75: {  	_ =	shalt  }
0x76: {  	_ =	shalt  }
0x77: {  	_ =	shalt  }
0x78: {  	_ =	shalt  }
0x79: {  	_ =	shalt  }
0x7a: {  	_ =	shalt  }
0x7b: {  	_ =	shalt  }
0x7c: {  	_ =	shalt  }
0x7d: {  	_ =	shalt  }
0x7e: {  	_ =	shalt  }
0x7f: {  	_ =	shalt  }
0x80: {  	_ =	shalt  }
0x81: {  	_ =	shalt  }
0x82: {  	_ =	shalt  }
0x83: {  	_ =	shalt  }
0x84: {  	_ =	shalt  }
0x85: {  	_ =	shalt  }
0x86: {  	_ =	shalt  }
0x87: {  	_ =	shalt  }
.Lfunc_end0:
.L_simem_size_0:
called_computation_lowered:
.L_overlay_start_0:
0x88: {  	s2 =	sld [smem:$0x3FD9]  }
0x89: {  	s3 =	sld [smem:$0x3FFE];
	_ =	sdelay $0x1  }
0x8a: {  	s1 =	srdreg.scid  }
0x8b: {  	s0 =	sand.u32 $0x1, s1  }
0x8c: {  	s17 =	sshll.u32 s0, $0xA;
	s2 =	sadd.s32 s3, s2  }
0x8d: {  	s2 =	sadd.s32 s2, s17  }
0x8e: {  	[smem:$0x3FC2] =	sst s2  }
0x8f: {  	_ = 	snop  }
0x90: {  	s2 =	sld [smem:$0x3FD0];
	(tm) =	ssettm $0x1  }
0x91: {  	s18 =	sld [smem:$0x3FFB];
	_ =	sdelay $0x3  }
0x92: {  	_ =	strace s18  }
0x93: {  	s3 =	sld [smem:$0x3FFC];
	_ =	sdelay $0x3  }
0x94: {  	_ =	strace s3  }
0x95: {  	s3 =	sld [smem:$0x3FFD];
	_ =	sdelay $0x3  }
0x96: {  	_ =	strace s3  }
0x97: {  	_ =	strace $0x8FFFFFFF  }
0x98: {  	s19 =	sld [smem:$0x3FDB];
	_ =	sdelay $0x1  }
0x99: {  	s4 =	simm.s32 $_scs_section_size  }
0x9a: {  	s5 =	simm.s32 $_size__tile_overlayer_lowered;
	s6 =	simm.s32 $_tile_overlayer_lowered  }
0x9b: {  	s22 =	simm.s32 $0x1BFF;
	s21 =	sshll.u32 s6, $0x1;
	s3 =	sadd.s32 s4, s19  }
0x9c: {  	s7 =	simm.s32 $0x0;
	s20 =	sshll.u32 s5, $0x1;
	s5 =	sadd.s32 s21, s3  }
0x9d: {  	[timem:s7], [sflag:s22] =	dma.local [hbm:s5], s20  }
0x9e: {  	_ =	swait.ge [sflag:s22], s20  }
0x9f: {  	s4 =	ssub.s32 $0x0, s20;
	[sflag:s22] =	ssyncset.done $0x0  }
0xa0: {  	[sflag:s22] =	ssyncadd.s32 s4;
	_ =	sdelay $0x1  }
0xa1: {  	s23 =	simm.s32 $0x1B8B  }
0xa2: {  	_ =	swait.ge [sflag:s23], $0x1  }
0xa3: {  	[sflag:s23] =	ssyncset.done $0x0  }
0xa4: {  	s25 =	simm.s32 $0x1B8E;
	s24 =	sld [smem:$0x3FFE];
	[sflag:s23] =	ssyncadd.s32 $0xFFFFFFFF  }
0xa5: {  	s26 =	simm.s32 $execute0_lowered;
	[smem:$0x3FD2] =	sst s25  }
0xa6: {  	s5 =	sshll.u32 s26, $0x1;
	_ =	strace $0x80000046;
	[dreg:$0x1] =	wrdreg $0xFFFFFFFF  }
0xa7: {  	s28 =	simm.s32 $_size_execute0_lowered;
	s3 =	sadd.s32 s3, s5;
	[dreg:$0x0] =	wrdreg $0x0  }
0xa8: {  	s5 =	sshll.u32 s28, $0x1;
	[dreg:$0x2] =	wrdreg s3  }
0xa9: {  	[dreg:$0x3] =	wrdreg s5  }
0xaa: {  	[dreg:$0x4] =	wrdreg $0xC0  }
0xab: {  	_ =	task [dreg:s7], $0x5FFFF  }
0xac: {  	[dreg:$0x1] =	wrdreg $0xFFFFFFFF  }
0xad: {  	[dreg:$0x0] =	wrdreg $0x60  }
0xae: {  	[dreg:$0x2] =	wrdreg s24  }
0xaf: {  	[dreg:$0x3] =	wrdreg s2  }
0xb0: {  	[dreg:$0x4] =	wrdreg $0x7C000  }
0xb1: {  	[dreg:$0x5] =	wrdreg $0x9  }
0xb2: {  	_ =	task.clear_ibuf [dreg:s7], $0x6FFFF;
	_ =	strace $0x90000046  }
0xb3: {  	s29 =	simm.s32 $0x9;
	_ =	strace $0x80000048  }
0xb4: {  	_ =	swait.ge [sflag:s29], $0x1  }
0xb5: {  	[sflag:s29] =	ssyncadd.s32 $0xFFFFFFFF  }
0xb6: {  	_ =	strace $0x90000048  }
0xb7: {  	_ =	sfence  }
0xb8: {  	s30 =	sld [smem:$0x0];
	_ =	sdelay $0x2  }
0xb9: {  	s31 =	sshll.u32 s1, $0xD;
	s1 =	sshrl.u32 s1, $0x2  }
0xba: {  	s3 =	sand.u32 $0x4000, s31;
	s1 =	sadd.s32 s1, s30  }
0xbb: {  	s0 =	sor.u32 s3, s0;
	s1 =	sshll.u32 s1, $0x11  }
0xbc: {  	s0 =	sor.u32 s1, s0  }
0xbd: {  	s0 =	sadd.s32 $0x8F2B, s0  }
0xbe: {  	[sflag:s0] =	ssyncadd.remote.s32 $0x1  }
0xbf: {  	_ =	sfence.sel $0xFFFF  }
0xc0: {  	[dreg:$0x0] =	wrdreg $0xFFFFFFFF;
	(pc) =	sbr.abs _section_cstart, $3  }
0xc1: {  	[dreg:$0x1] =	wrdreg $0xFFFFFFFF  }
0xc2: {  	_ =	task.clear_ibuf [dreg:s7], $0x2FFFF;
	_ =	strace $0x9FFFFFFF  }
0xc3: {  	(tm) =	ssettm $0x7FFFFFFF  }
tec
execute0_lowered:
.L_overlay_start_1:
0x0: {  	(tag) =	ssettag $0x1  }
0x1: {  	s0 =	rddreg [dreg:$0x0]  }
0x2: {  	s2 =	rddreg [dreg:$0x1]  }
0x3: {  	s1 =	srdreg.scid;
	s3 =	rddreg [dreg:$0x2]  }
0x4: {  	s10 =	stileid.u32;
	s4 =	simm.s32 $0x0;
	s16 =	simm.s32 $0x5  }
0x5: {  	s17 =	simm.s32 $0x80;
	s19 =	simm.s32 $0x3;
	s26 =	simm.s32 $0x380  }
0x6: {  	s31 =	simm.s32 $0x280;
	s28 =	simm.s32 $0x400;
	s29 =	simm.s32 $0x2  }
0x7: {  	s30 =	simm.s32 $0x0;
	s1 =	sand.u32 $0x1, s1;
	[smem:$0x7FF] =	sst s4  }
0x8: {  	s8 =	smul.u32 $0x50000, s10;
	s9 =	sadd.s32 $0xC4C00, s0;
	s22 =	sshll.u32 s10, $0x6  }
0x9: {  	s23 =	smul.u32 $0x2800, s10;
	_ =	strace $0x80000047;
	[dreg:$0x6] =	wrdreg s9  }
0xa: {  	s5 =	sshll.u32 s1, $0x4;
	s20 =	ssub.s32 $0x2, s1;
	[dreg:$0x4] =	wrdreg s26  }
0xb: {  	p0 =	seq.s32 s1, $0x1;
	s1 =	simm.s32 $0xEF400;
	[dreg:$0x5] =	wrdreg s31  }
0xc: {  	s26 =	simm.s32 $0x200;
	s6 =	sor.u32 s10, s5;
	s5 =	sadd.s32 $0x1600, s0  }
0xd: {  	s21 =	sshrl.u32 s20, $0x1;
	s8 =	sshrl.u32 s8, $0x2;
	s1 =	simm.s32 @!p0 $0xC7400  }
0xe: {  	s7 =	smul.u32 $0x500, s6;
	s13 =	ssub.s32 s20, s21;
	s15 =	sadd.s32 s8, s3  }
0xf: {  	s8 =	sshll.u32 s6, $0xF;
	s6 =	sshll.u32 s6, $0xC;
	s20 =	simm.s32 $0x5400  }
0x10: {  	s21 =	simm.s32 $0x50;
	s9 =	sadd.s32 s2, s6;
	s13 =	smax.u32 s13, $0x1  }
0x11: {  	s15 =	sshrl.u32 s15, $0x3;
	s12 =	sadd.s32 s7, s0;
	s6 =	sadd.s32 $0x10, s9  }
0x12: {  	s7 =	sor.u32 $0x1C05, s22;
	s24 =	sadd.s32 $0x20, s9;
	[dreg:$0x7] =	wrdreg s6  }
0x13: {  	s0 =	sadd.s32 s1, s0;
	s22 =	simm.s32 $0x300;
	[dreg:$0x8] =	wrdreg s24  }
0x14: {  	s25 =	sadd.s32 $0x117400, s12;
	s14 =	sadd.s32 s0, s23;
	s23 =	simm.s32 $0x4  }
0x15: {  	v0 =	vimm.f32 $0.0e+00;
	v1 =	vimm.f32 $1.000000000e+00;
	s24 =	simm.s32 $0x2C00;
	[dreg:$0x9] =	wrdreg s25;
	s25 =	simm.s32 $0x1  }
.LBB2_1:
0x16: {  	s0 =	rddreg [dreg:$0x6]  }
0x17: {  	[spmem:s15], [sflag:s7] =	dma.local [hbm:s0], $0x2800  }
0x18: {  	_ =	swait.ge [sflag:s16], $0x2800  }
0x19: {  	[sflag:s16] =	ssyncset.done $0x0  }
0x1a: {  	s1 =	simm.s32 $0x0;
	s0 =	simm.s32 $0x40;
	[sflag:s16] =	ssyncadd.s32 $0xFFFFD800  }
.LBB2_2:
0x1b: {  	p0 =	sne.s32 s0, $0x9FC0;
	[tilespmem:s1+$0x5400] =	vst v0;
	s1 =	smov.u32 s0;
	s0 =	sadd.s32 $0x40, s0  }
.Ltmp0:
0x1c: {  	(pc) =	sbr.rel @p0 .LBB2_2-.Ltmp0, $2  }
0x1d: {  	_ =	sdelay $0x2  }
0x1e: {  	s1 =	sshra.s32 s1, $0x2  }
0x1f: {  	[tilespmem:s1+$0x5400] =	vst v0  }
0x20: {  	s0 =	simm.s32 $0x400;
	[bflag:$0x0] =	sbarrier.arrive $0xFFFF  }
0x21: {  	[tilespmem:s4], [sflag:$0x3] =	stream.strided.gather [hbm4b:s9+s17], $0x100, s0, s17, $0x38;
	[tilespmem:$0x1BC00] =	vst v63  }
0x22: {  	s6 =	simm.s32 $0x100;
	s11 =	rddreg [dreg:$0x7]  }
0x23: {  	[tilespmem:s6], [sflag:$0x4] =	stream.strided.gather [hbm4b:s11+s17], $0x100, s0, s17, $0x38;
	[tilespmem:$0x1BC00] =	vst v63  }
0x24: {  	_ =	swait.ge [sflag:s19], $0x100  }
0x25: {  	[sflag:s19] =	ssyncset.done $0x0  }
0x26: {  	[sflag:s19] =	ssyncadd.s32 $0xFFFFFF00  }
0x27: {  	v2 =	vld [tilespmem:$0xA0]  }
0x28: {  	v4 =	vld [tilespmem:$0x50]  }
0x29: {  	v3 =	vld [tilespmem:$0x0];
	_ =	sdelay $0x2  }
0x2a: {  	v2 =	vmul.u32 $0x2710, v2;
	_ =	sdelay $0x1  }
0x2b: {  	[tilespmem:$0x200] =	vst v4;
	v2 =	vadd.s32 v3, v2  }
0x2c: {  	[tilespmem:$0x300] =	vst v2  }
0x2d: {  	[tilespmem:v4+s20+$0x0] =	vst.idx.add.f32.msk $0xffff, v1  }
0x2e: {  	v2 =	vld [tilespmem:$0xB0]  }
0x2f: {  	v4 =	vld [tilespmem:$0x60]  }
0x30: {  	v3 =	vld [tilespmem:$0x10];
	_ =	sdelay $0x2  }
0x31: {  	v2 =	vmul.u32 $0x2710, v2;
	_ =	sdelay $0x1  }
0x32: {  	[tilespmem:$0x210] =	vst v4;
	v2 =	vadd.s32 v3, v2  }
0x33: {  	[tilespmem:$0x310] =	vst v2  }
0x34: {  	[tilespmem:v4+s20+$0x0] =	vst.idx.add.f32.msk $0xffff, v1  }
0x35: {  	v2 =	vld [tilespmem:$0xC0]  }
0x36: {  	v4 =	vld [tilespmem:$0x70]  }
0x37: {  	v3 =	vld [tilespmem:$0x20];
	_ =	sdelay $0x2  }
0x38: {  	v2 =	vmul.u32 $0x2710, v2;
	_ =	sdelay $0x1  }
0x39: {  	[tilespmem:$0x220] =	vst v4;
	v2 =	vadd.s32 v3, v2  }
0x3a: {  	[tilespmem:$0x320] =	vst v2  }
0x3b: {  	[tilespmem:v4+s20+$0x0] =	vst.idx.add.f32.msk $0xffff, v1  }
0x3c: {  	v2 =	vld [tilespmem:$0xD0]  }
0x3d: {  	v4 =	vld [tilespmem:$0x80]  }
0x3e: {  	v3 =	vld [tilespmem:$0x30];
	_ =	sdelay $0x2  }
0x3f: {  	v2 =	vmul.u32 $0x2710, v2;
	_ =	sdelay $0x1  }
0x40: {  	[tilespmem:$0x230] =	vst v4;
	v2 =	vadd.s32 v3, v2  }
0x41: {  	[tilespmem:$0x330] =	vst v2  }
0x42: {  	[tilespmem:v4+s20+$0x0] =	vst.idx.add.f32.msk $0xffff, v1  }
0x43: {  	v2 =	vld [tilespmem:$0xE0]  }
0x44: {  	v4 =	vld [tilespmem:$0x90]  }
0x45: {  	v3 =	vld [tilespmem:$0x40];
	_ =	sdelay $0x2  }
0x46: {  	v2 =	vmul.u32 $0x2710, v2;
	_ =	sdelay $0x1  }
0x47: {  	[tilespmem:$0x240] =	vst v4;
	v2 =	vadd.s32 v3, v2  }
0x48: {  	[tilespmem:$0x340] =	vst v2  }
0x49: {  	s12 =	rddreg [dreg:$0x8];
	[tilespmem:v4+s20+$0x0] =	vst.idx.add.f32.msk $0xffff, v1  }
0x4a: {  	[tilespmem:s4], [sflag:$0x3] =	stream.strided.gather [hbm4b:s12+s17], $0x100, s0, s17, $0x38;
	[tilespmem:$0x1BC00] =	vst v63  }
0x4b: {  	_ = 	snop  }
0x4c: {  	[tilespmem:s0], [sflag:$0x1] =	stream.indirect.gather [hbm4b:s5+s21], $0x80, s22, s21, $0xb8;
	[tilespmem:$0x1BC00] =	vst v63  }
0x4d: {  	_ =	swait.ge [sflag:s23], $0x100  }
0x4e: {  	[sflag:s23] =	ssyncset.done $0x0  }
0x4f: {  	[sflag:s23] =	ssyncadd.s32 $0xFFFFFF00  }
0x50: {  	v2 =	vld [tilespmem:$0x1A0]  }
0x51: {  	v3 =	vld [tilespmem:$0x150]  }
0x52: {  	v54 =	vld [tilespmem:$0x100];
	_ =	sdelay $0x2  }
0x53: {  	v2 =	vmul.u32 $0x2710, v2;
	_ =	sdelay $0x1  }
0x54: {  	[tilespmem:$0x280] =	vst v3;
	v2 =	vadd.s32 v54, v2  }
0x55: {  	[tilespmem:$0x380] =	vst v2  }
0x56: {  	[tilespmem:v3+s20+$0x0] =	vst.idx.add.f32.msk $0xffff, v1  }
0x57: {  	v2 =	vld [tilespmem:$0x1B0]  }
0x58: {  	v3 =	vld [tilespmem:$0x160]  }
0x59: {  	v55 =	vld [tilespmem:$0x110];
	_ =	sdelay $0x2  }
0x5a: {  	v2 =	vmul.u32 $0x2710, v2;
	_ =	sdelay $0x1  }
0x5b: {  	[tilespmem:$0x290] =	vst v3;
	v2 =	vadd.s32 v55, v2  }
0x5c: {  	[tilespmem:$0x390] =	vst v2  }
0x5d: {  	[tilespmem:v3+s20+$0x0] =	vst.idx.add.f32.msk $0xffff, v1  }
0x5e: {  	v2 =	vld [tilespmem:$0x1C0]  }
0x5f: {  	v3 =	vld [tilespmem:$0x170]  }
0x60: {  	v56 =	vld [tilespmem:$0x120];
	_ =	sdelay $0x2  }
0x61: {  	v2 =	vmul.u32 $0x2710, v2;
	_ =	sdelay $0x1  }
0x62: {  	[tilespmem:$0x2A0] =	vst v3;
	v2 =	vadd.s32 v56, v2  }
0x63: {  	[tilespmem:$0x3A0] =	vst v2  }
0x64: {  	[tilespmem:v3+s20+$0x0] =	vst.idx.add.f32.msk $0xffff, v1  }
0x65: {  	v2 =	vld [tilespmem:$0x1D0]  }
0x66: {  	v3 =	vld [tilespmem:$0x180]  }
0x67: {  	v57 =	vld [tilespmem:$0x130];
	_ =	sdelay $0x2  }
0x68: {  	v2 =	vmul.u32 $0x2710, v2;
	_ =	sdelay $0x1  }
0x69: {  	[tilespmem:$0x2B0] =	vst v3;
	v2 =	vadd.s32 v57, v2  }
0x6a: {  	[tilespmem:$0x3B0] =	vst v2  }
0x6b: {  	[tilespmem:v3+s20+$0x0] =	vst.idx.add.f32.msk $0xffff, v1  }
0x6c: {  	v2 =	vld [tilespmem:$0x1E0]  }
0x6d: {  	v3 =	vld [tilespmem:$0x190]  }
0x6e: {  	v58 =	vld [tilespmem:$0x140]  }
0x6f: {  	p0 =	por $0x0, $0x0  }
0x70: {  	s1 =	simm.s32 @!p0 $0x300  }
0x71: {  	s1 =	sand.u32 @!p0 $0xF800, s1;
	s6 =	simm.s32 @!p0 $0x180;
	v2 =	vmul.u32 $0x2710, v2  }
0x72: {  	s1 =	sadd.s32 @!p0 s8, s1;
	s6 =	sand.u32 @!p0 $0x380, s6  }
0x73: {  	s1 =	sor.u32 @!p0 s6, s1;
	[tilespmem:$0x2C0] =	vst v3;
	v2 =	vadd.s32 v58, v2  }
0x74: {  	s10 =	simm.s32 @!p0 $0x80;
	s6 =	sshrl.u32 @!p0 s1, $0x3;
	[tilespmem:$0x3C0] =	vst v2  }
0x75: {  	s31 =	simm.s32 @!p0 $0x100;
	s1 =	simm.s32 @!p0 $0x400;
	s6 =	sadd.s32 @!p0 s2, s6;
	[tilespmem:v3+s20+$0x0] =	vst.idx.add.f32.msk $0xffff, v1  }
0x76: {  	[tilespmem:s31], [sflag:$0x4] =	stream.strided.gather @!p0 [hbm4b:s6+s10], $0x100, s1, s10, $0x38;
	[tilespmem:$0x1BC00] =	vst v63  }
0x77: {  	s18 =	rddreg [dreg:$0x4]  }
0x78: {  	[tilespmem:s24], [sflag:$0x2] =	stream.indirect.gather [hbm4b:s5+s21], $0x80, s18, s21, $0xb8;
	[tilespmem:$0x1BC00] =	vst v63  }
0x79: {  	_ =	swait.ge [sflag:s25], $0x2800  }
0x7a: {  	[sflag:s25] =	ssyncset.done $0x0  }
0x7b: {  	[sflag:s25] =	ssyncadd.s32 $0xFFFFD800  }
0x7c: {  	[spmem:s3] =	stream.indirect.scatter.add.f32 [tilespmem:s28], [sflag:$0x5], $0x80, s26, s21, $0xb8;
	[tilespmem:$0x1BC00] =	vst v63  }
0x7d: {  	_ =	swait.ge [sflag:s16], $0x2800  }
0x7e: {  	[sflag:s16] =	ssyncset.done $0x0  }
0x7f: {  	[sflag:s16] =	ssyncadd.s32 $0xFFFFD800  }
0x80: {  	_ =	swait.ge [sflag:s19], $0x100  }
0x81: {  	[sflag:s19] =	ssyncset.done $0x0  }
0x82: {  	[sflag:s19] =	ssyncadd.s32 $0xFFFFFF00  }
0x83: {  	v2 =	vld [tilespmem:$0xA0]  }
0x84: {  	v3 =	vld [tilespmem:$0x50]  }
0x85: {  	v59 =	vld [tilespmem:$0x0];
	_ =	sdelay $0x2  }
0x86: {  	v2 =	vmul.u32 $0x2710, v2;
	_ =	sdelay $0x1  }
0x87: {  	[tilespmem:$0x200] =	vst v3;
	v2 =	vadd.s32 v59, v2  }
0x88: {  	[tilespmem:$0x300] =	vst v2  }
0x89: {  	[tilespmem:v3+s20+$0x0] =	vst.idx.add.f32.msk $0xffff, v1  }
0x8a: {  	v2 =	vld [tilespmem:$0xB0]  }
0x8b: {  	v3 =	vld [tilespmem:$0x60]  }
0x8c: {  	v60 =	vld [tilespmem:$0x10];
	_ =	sdelay $0x2  }
0x8d: {  	v2 =	vmul.u32 $0x2710, v2;
	_ =	sdelay $0x1  }
0x8e: {  	[tilespmem:$0x210] =	vst v3;
	v2 =	vadd.s32 v60, v2  }
0x8f: {  	[tilespmem:$0x310] =	vst v2  }
0x90: {  	[tilespmem:v3+s20+$0x0] =	vst.idx.add.f32.msk $0xffff, v1  }
0x91: {  	v2 =	vld [tilespmem:$0xC0]  }
0x92: {  	v3 =	vld [tilespmem:$0x70]  }
0x93: {  	v61 =	vld [tilespmem:$0x20];
	_ =	sdelay $0x2  }
0x94: {  	v2 =	vmul.u32 $0x2710, v2;
	_ =	sdelay $0x1  }
0x95: {  	[tilespmem:$0x220] =	vst v3;
	v2 =	vadd.s32 v61, v2  }
0x96: {  	[tilespmem:$0x320] =	vst v2  }
0x97: {  	[tilespmem:v3+s20+$0x0] =	vst.idx.add.f32.msk $0xffff, v1  }
0x98: {  	v2 =	vld [tilespmem:$0xD0]  }
0x99: {  	v3 =	vld [tilespmem:$0x80]  }
0x9a: {  	v62 =	vld [tilespmem:$0x30];
	_ =	sdelay $0x2  }
0x9b: {  	v2 =	vmul.u32 $0x2710, v2;
	_ =	sdelay $0x1  }
0x9c: {  	[tilespmem:$0x230] =	vst v3;
	v2 =	vadd.s32 v62, v2  }
0x9d: {  	[tilespmem:$0x330] =	vst v2  }
0x9e: {  	[tilespmem:v3+s20+$0x0] =	vst.idx.add.f32.msk $0xffff, v1  }
0x9f: {  	v2 =	vld [tilespmem:$0xE0]  }
0xa0: {  	v3 =	vld [tilespmem:$0x90]  }
0xa1: {  	v63 =	vld [tilespmem:$0x40];
	_ =	sdelay $0x2  }
0xa2: {  	s0 =	sand.u32 @!p0 $0xF800, s0;
	s31 =	simm.s32 $0x200;
	v2 =	vmul.u32 $0x2710, v2  }
0xa3: {  	s0 =	sadd.s32 @!p0 s8, s0;
	s6 =	sand.u32 @!p0 $0x300, s31  }
0xa4: {  	s0 =	sor.u32 @!p0 s6, s0;
	[tilespmem:$0x240] =	vst v3;
	v2 =	vadd.s32 v63, v2  }
0xa5: {  	s0 =	sshrl.u32 @!p0 s0, $0x3;
	[tilespmem:$0x340] =	vst v2  }
0xa6: {  	s6 =	simm.s32 @!p0 $0x0;
	s0 =	sadd.s32 @!p0 s2, s0;
	[tilespmem:v3+s20+$0x0] =	vst.idx.add.f32.msk $0xffff, v1  }
0xa7: {  	[tilespmem:s6], [sflag:$0x3] =	stream.strided.gather @!p0 [hbm4b:s0+s10], $0x100, s1, s10, $0x38;
	[tilespmem:$0x1BC00] =	vst v63  }
0xa8: {  	_ = 	snop  }
0xa9: {  	[tilespmem:s28], [sflag:$0x1] =	stream.indirect.gather [hbm4b:s5+s21], $0x80, s22, s21, $0xb8;
	[tilespmem:$0x1BC00] =	vst v63  }
0xaa: {  	_ =	swait.ge [sflag:s29], $0x2800  }
0xab: {  	[sflag:s29] =	ssyncset.done $0x0  }
0xac: {  	s18 =	rddreg [dreg:$0x5];
	[sflag:s29] =	ssyncadd.s32 $0xFFFFD800  }
0xad: {  	[spmem:s3] =	stream.indirect.scatter.add.f32 [tilespmem:s24], [sflag:$0x5], $0x80, s18, s21, $0xb8;
	[tilespmem:$0x1BC00] =	vst v63  }
0xae: {  	_ =	swait.ge [sflag:s16], $0x2800  }
0xaf: {  	s0 =	simm.s32 $0x600;
	[sflag:s16] =	ssyncset.done $0x0  }
.LBB2_4:
0xb0: {  	[sflag:s16] =	ssyncadd.s32 $0xFFFFD800  }
0xb1: {  	_ =	swait.ge [sflag:s23], $0x100  }
0xb2: {  	[sflag:s23] =	ssyncset.done $0x0  }
0xb3: {  	[sflag:s23] =	ssyncadd.s32 $0xFFFFFF00  }
0xb4: {  	v2 =	vld [tilespmem:$0x1A0]  }
0xb5: {  	v3 =	vld [tilespmem:$0x150]  }
0xb6: {  	v4 =	vld [tilespmem:$0x100];
	_ =	sdelay $0x2  }
0xb7: {  	v2 =	vmul.u32 $0x2710, v2;
	_ =	sdelay $0x1  }
0xb8: {  	[tilespmem:$0x280] =	vst v3;
	v2 =	vadd.s32 v4, v2  }
0xb9: {  	[tilespmem:$0x380] =	vst v2  }
0xba: {  	[tilespmem:v3+s20+$0x0] =	vst.idx.add.f32.msk $0xffff, v1  }
0xbb: {  	v2 =	vld [tilespmem:$0x1B0]  }
0xbc: {  	v3 =	vld [tilespmem:$0x160]  }
0xbd: {  	v55 =	vld [tilespmem:$0x110];
	_ =	sdelay $0x2  }
0xbe: {  	v2 =	vmul.u32 $0x2710, v2;
	_ =	sdelay $0x1  }
0xbf: {  	[tilespmem:$0x290] =	vst v3;
	v2 =	vadd.s32 v55, v2  }
0xc0: {  	[tilespmem:$0x390] =	vst v2  }
0xc1: {  	[tilespmem:v3+s20+$0x0] =	vst.idx.add.f32.msk $0xffff, v1  }
0xc2: {  	v2 =	vld [tilespmem:$0x1C0]  }
0xc3: {  	v3 =	vld [tilespmem:$0x170]  }
0xc4: {  	v56 =	vld [tilespmem:$0x120];
	_ =	sdelay $0x2  }
0xc5: {  	v2 =	vmul.u32 $0x2710, v2;
	_ =	sdelay $0x1  }
0xc6: {  	[tilespmem:$0x2A0] =	vst v3;
	v2 =	vadd.s32 v56, v2  }
0xc7: {  	[tilespmem:$0x3A0] =	vst v2  }
0xc8: {  	[tilespmem:v3+s20+$0x0] =	vst.idx.add.f32.msk $0xffff, v1  }
0xc9: {  	v2 =	vld [tilespmem:$0x1D0]  }
0xca: {  	v3 =	vld [tilespmem:$0x180]  }
0xcb: {  	v57 =	vld [tilespmem:$0x130];
	_ =	sdelay $0x2  }
0xcc: {  	v2 =	vmul.u32 $0x2710, v2;
	_ =	sdelay $0x1  }
0xcd: {  	[tilespmem:$0x2B0] =	vst v3;
	v2 =	vadd.s32 v57, v2  }
0xce: {  	[tilespmem:$0x3B0] =	vst v2  }
0xcf: {  	[tilespmem:v3+s20+$0x0] =	vst.idx.add.f32.msk $0xffff, v1  }
0xd0: {  	v2 =	vld [tilespmem:$0x1E0]  }
0xd1: {  	v3 =	vld [tilespmem:$0x190]  }
0xd2: {  	s1 =	smov.u32 s0;
	v58 =	vld [tilespmem:$0x140]  }
0xd3: {  	p1 =	seq.s32 s1, $0x7E00  }
0xd4: {  	s31 =	sadd.s32 $0x100, s31;
	s6 =	sadd.s32 @!p1 $0xFFFFFF00, s1  }
0xd5: {  	s10 =	sadd.s32 @!p1 $0xFFFFFF80, s31;
	s6 =	sand.u32 @!p1 $0xF800, s6;
	v2 =	vmul.u32 $0x2710, v2  }
0xd6: {  	s1 =	sand.u32 @!p1 $0xF800, s1;
	s10 =	sand.u32 @!p1 $0x380, s10;
	s6 =	sadd.s32 @!p1 s8, s6  }
0xd7: {  	s18 =	sand.u32 @!p1 $0x300, s31;
	s1 =	sadd.s32 @!p1 s8, s1;
	s6 =	sor.u32 @!p1 s10, s6;
	[tilespmem:$0x2C0] =	vst v3;
	v2 =	vadd.s32 v58, v2  }
0xd8: {  	s12 =	simm.s32 @!p1 $0x100;
	s10 =	sor.u32 @!p1 s18, s1;
	s6 =	sshrl.u32 @!p1 s6, $0x3;
	[tilespmem:$0x3C0] =	vst v2  }
0xd9: {  	s1 =	simm.s32 @!p1 $0x400;
	s18 =	simm.s32 @!p1 $0x80;
	s6 =	sadd.s32 @!p1 s2, s6;
	[tilespmem:v3+s20+$0x0] =	vst.idx.add.f32.msk $0xffff, v1  }
0xda: {  	[tilespmem:s12], [sflag:$0x4] =	stream.strided.gather @!p1 [hbm4b:s6+s18], $0x100, s1, s18, $0x38;
	[tilespmem:$0x1BC00] =	vst v63  }
0xdb: {  	s11 =	rddreg [dreg:$0x4]  }
0xdc: {  	[tilespmem:s24], [sflag:$0x2] =	stream.indirect.gather [hbm4b:s5+s21], $0x80, s11, s21, $0xb8;
	[tilespmem:$0x1BC00] =	vst v63  }
0xdd: {  	_ =	swait.ge [sflag:s25], $0x2800  }
0xde: {  	[sflag:s25] =	ssyncset.done $0x0  }
0xdf: {  	[sflag:s25] =	ssyncadd.s32 $0xFFFFD800  }
0xe0: {  	[spmem:s3] =	stream.indirect.scatter.add.f32 [tilespmem:s28], [sflag:$0x5], $0x80, s26, s21, $0xb8;
	[tilespmem:$0x1BC00] =	vst v63  }
0xe1: {  	_ =	swait.ge [sflag:s16], $0x2800  }
0xe2: {  	[sflag:s16] =	ssyncset.done $0x0  }
0xe3: {  	[sflag:s16] =	ssyncadd.s32 $0xFFFFD800  }
0xe4: {  	_ =	swait.ge [sflag:s19], $0x100  }
0xe5: {  	[sflag:s19] =	ssyncset.done $0x0  }
0xe6: {  	[sflag:s19] =	ssyncadd.s32 $0xFFFFFF00  }
0xe7: {  	v2 =	vld [tilespmem:$0xA0]  }
0xe8: {  	v3 =	vld [tilespmem:$0x50]  }
0xe9: {  	v59 =	vld [tilespmem:$0x0];
	_ =	sdelay $0x2  }
0xea: {  	v2 =	vmul.u32 $0x2710, v2;
	_ =	sdelay $0x1  }
0xeb: {  	[tilespmem:$0x200] =	vst v3;
	v2 =	vadd.s32 v59, v2  }
0xec: {  	[tilespmem:$0x300] =	vst v2  }
0xed: {  	[tilespmem:v3+s20+$0x0] =	vst.idx.add.f32.msk $0xffff, v1  }
0xee: {  	v2 =	vld [tilespmem:$0xB0]  }
0xef: {  	v3 =	vld [tilespmem:$0x60]  }
0xf0: {  	v60 =	vld [tilespmem:$0x10];
	_ =	sdelay $0x2  }
0xf1: {  	v2 =	vmul.u32 $0x2710, v2;
	_ =	sdelay $0x1  }
0xf2: {  	[tilespmem:$0x210] =	vst v3;
	v2 =	vadd.s32 v60, v2  }
0xf3: {  	[tilespmem:$0x310] =	vst v2  }
0xf4: {  	[tilespmem:v3+s20+$0x0] =	vst.idx.add.f32.msk $0xffff, v1  }
0xf5: {  	v2 =	vld [tilespmem:$0xC0]  }
0xf6: {  	v3 =	vld [tilespmem:$0x70]  }
0xf7: {  	v61 =	vld [tilespmem:$0x20];
	_ =	sdelay $0x2  }
0xf8: {  	v2 =	vmul.u32 $0x2710, v2;
	_ =	sdelay $0x1  }
0xf9: {  	[tilespmem:$0x220] =	vst v3;
	v2 =	vadd.s32 v61, v2  }
0xfa: {  	[tilespmem:$0x320] =	vst v2  }
0xfb: {  	[tilespmem:v3+s20+$0x0] =	vst.idx.add.f32.msk $0xffff, v1  }
0xfc: {  	v2 =	vld [tilespmem:$0xD0]  }
0xfd: {  	v3 =	vld [tilespmem:$0x80]  }
0xfe: {  	v62 =	vld [tilespmem:$0x30];
	_ =	sdelay $0x2  }
0xff: {  	v2 =	vmul.u32 $0x2710, v2;
	_ =	sdelay $0x1  }
0x100: {  	[tilespmem:$0x230] =	vst v3;
	v2 =	vadd.s32 v62, v2  }
0x101: {  	[tilespmem:$0x330] =	vst v2  }
0x102: {  	[tilespmem:v3+s20+$0x0] =	vst.idx.add.f32.msk $0xffff, v1  }
0x103: {  	v2 =	vld [tilespmem:$0xE0]  }
0x104: {  	v3 =	vld [tilespmem:$0x90]  }
0x105: {  	v63 =	vld [tilespmem:$0x40];
	_ =	sdelay $0x2  }
0x106: {  	v2 =	vmul.u32 $0x2710, v2;
	_ =	sdelay $0x1  }
0x107: {  	[tilespmem:$0x240] =	vst v3;
	v2 =	vadd.s32 v63, v2  }
0x108: {  	s6 =	sshrl.u32 @!p1 s10, $0x3;
	[tilespmem:$0x340] =	vst v2  }
0x109: {  	s10 =	simm.s32 @!p1 $0x0;
	s6 =	sadd.s32 @!p1 s2, s6;
	[tilespmem:v3+s20+$0x0] =	vst.idx.add.f32.msk $0xffff, v1  }
0x10a: {  	[tilespmem:s10], [sflag:$0x3] =	stream.strided.gather @!p1 [hbm4b:s6+s18], $0x100, s1, s18, $0x38;
	[tilespmem:$0x1BC00] =	vst v63  }
0x10b: {  	s0 =	sadd.s32 $0x200, s0  }
0x10c: {  	[tilespmem:s28], [sflag:$0x1] =	stream.indirect.gather [hbm4b:s5+s21], $0x80, s22, s21, $0xb8;
	[tilespmem:$0x1BC00] =	vst v63  }
0x10d: {  	p0 =	sne.s32 s0, $0x8000;
	_ =	swait.ge [sflag:s29], $0x2800  }
.Ltmp1:
0x10e: {  	[sflag:s29] =	ssyncset.done $0x0;
	(pc) =	sbr.rel @p0 .LBB2_4-.Ltmp1, $4  }
0x10f: {  	s18 =	rddreg [dreg:$0x5];
	[sflag:s29] =	ssyncadd.s32 $0xFFFFD800  }
0x110: {  	[spmem:s3] =	stream.indirect.scatter.add.f32 [tilespmem:s24], [sflag:$0x5], $0x80, s18, s21, $0xb8;
	[tilespmem:$0x1BC00] =	vst v63  }
0x111: {  	_ =	swait.ge [sflag:s16], $0x2800  }
0x112: {  	[sflag:s16] =	ssyncset.done $0x0  }
0x113: {  	[sflag:s16] =	ssyncadd.s32 $0xFFFFD800  }
0x114: {  	_ =	swait.ge [sflag:s25], $0x2800  }
0x115: {  	[sflag:s25] =	ssyncset.done $0x0  }
0x116: {  	[sflag:s25] =	ssyncadd.s32 $0xFFFFD800  }
0x117: {  	[spmem:s3] =	stream.indirect.scatter.add.f32 [tilespmem:s28], [sflag:$0x5], $0x80, s26, s21, $0xb8;
	[tilespmem:$0x1BC00] =	vst v63  }
0x118: {  	_ =	swait.ge [sflag:s16], $0x2800  }
0x119: {  	[sflag:s16] =	ssyncset.done $0x0  }
0x11a: {  	[sflag:s16] =	ssyncadd.s32 $0xFFFFD800  }
0x11b: {  	[bflag:$0x0] =	sbarrier.arrive $0xFFFF  }
0x11c: {  	s0 =	rddreg [dreg:$0x9]  }
0x11d: {  	[hbm4b:s0+s4] =	stream.linear.scatter [tilespmem:s20], [sflag:$0x5], $0x2800, $0x38;
	[tilespmem:$0x1BC00] =	vst v63  }
0x11e: {  	s30 =	sadd.s32 $0x1, s30;
	_ =	swait.ge [sflag:s16], $0x2800  }
0x11f: {  	p0 =	sne.s32 s30, s13;
	[sflag:s16] =	ssyncset.done $0x0  }
.Ltmp2:
0x120: {  	[sflag:s16] =	ssyncadd.s32 $0xFFFFD800;
	(pc) =	sbr.rel @p0 .LBB2_1-.Ltmp2, $4  }
0x121: {  	[hbm:s14], [sflag:s7] =	dma.local [spmem:s15], $0x2800  }
0x122: {  	_ =	swait.ge [sflag:s16], $0x2800  }
0x123: {  	[sflag:s16] =	ssyncset.done $0x0  }
0x124: {  	[sflag:s16] =	ssyncadd.s32 $0xFFFFD800  }
0x125: {  	_ =	sfence.sel $0x180000  }
0x126: {  	[bflag:$0x0] =	sbarrier.arrive $0xFFFF  }
0x127: {  	_ =	strace $0x90000047  }
0x128: {  	s0 =	stileid.u32;
	[bflag:$0x2] =	sbarrier.arrive $0xFFFF  }
0x129: {  	p0 =	sne.s32 s0, $0x0;
	s0 =	rddreg [dreg:$0x3]  }
0x12a: {  	s0 =	sadd.s32 @!p0 $0x100000, s0  }
0x12b: {  	[sflag:s0] =	ssyncadd.tile.s32 @!p0 $0x1;
	_ =	shalt  }
.Lfunc_end2:
_tile_overlayer_lowered:
.L_overlay_start_2:
0x12c: {  	(tag) =	ssettag $0x2  }
0x12d: {  	s0 =	rddreg [dreg:$0x0];
	s2 =	stileid.u32  }
0x12e: {  	s1 =	rddreg [dreg:$0x1];
	p0 =	sne.s32 s2, $0x0  }
0x12f: {  	s3 =	rddreg [dreg:$0x2];
	[bflag:$0x3] =	sbarrier.arrive $0xFFFF;
	s2 =	simm.s32 @!p0 $0x1C05  }
0x130: {  	[timem:s3], [sflag:s2] =	dma.local @!p0 [hbm:s0], s1  }
0x131: {  	s0 =	simm.s32 @!p0 $0x5  }
0x132: {  	_ =	swait.ge @!p0 [sflag:s0], s1  }
0x133: {  	s1 =	ssub.s32 @!p0 $0x0, s1;
	[sflag:s0] =	ssyncset.done @!p0 $0x0  }
0x134: {  	[sflag:s0] =	ssyncadd.s32 @!p0 s1  }
0x135: {  	[bflag:$0x3] =	sbarrier.arrive $0xFFFF  }
0x136: {  	_ =	shalt  }

</sc_bundles>
